<compile_context>
chip_gen: v7x
topology: tpu7x:2x2x1
jax: 0.10.2.dev20260603
libtpu: 0.0.44.dev20260713+nightly
codegen_flags: <defaults>
</compile_context>

<pallas_src>
import functools

import jax
import jax.numpy as jnp
from jax import lax
from jax.experimental import pallas as pl
from jax.experimental.pallas import tpu as pltpu
from jax.experimental.pallas import tpu_sc as plsc

VOCAB = 1_000_000
DIM = 64
BATCH = 4096 * 200

NUM_CORES = 2
NUM_SUBCORES = 16
NUM_WORKERS = NUM_CORES * NUM_SUBCORES
PER_WORKER = BATCH // NUM_WORKERS
NBUF = 4
CHUNK = 400
N_CHUNKS = PER_WORKER // CHUNK
N_OUTER = N_CHUNKS // NBUF


def _emb_body(idx_hbm, table_hbm, out_hbm, idx_v, rows_v, *sems):
    gsems, osems = sems[:NBUF], sems[NBUF:]
    wid = lax.axis_index("s") * NUM_CORES + lax.axis_index("c")
    base = wid * PER_WORKER
    pltpu.sync_copy(idx_hbm.at[pl.ds(base, PER_WORKER)], idx_v)

    def gather(i, b):
        return pltpu.make_async_copy(
            table_hbm.at[idx_v.at[pl.ds(i * CHUNK, CHUNK)]],
            rows_v.at[b],
            gsems[b],
        )

    def outcopy(i, b):
        return pltpu.make_async_copy(
            rows_v.at[b],
            out_hbm.at[pl.ds(base + i * CHUNK, CHUNK)],
            osems[b],
        )

    for b in range(NBUF):
        gather(b, b).start()

    def turn(g, _):
        for b in range(NBUF):
            i = g * NBUF + b
            gather(i, b).wait()
            outcopy(i, b).start()
            outcopy(i, b).wait()
            gather(i + NBUF, b).start()
        return 0

    lax.fori_loop(0, N_OUTER - 1, turn, 0)

    for b in range(NBUF):
        i = (N_OUTER - 1) * NBUF + b
        gather(i, b).wait()
        outcopy(i, b).start()
        outcopy(i, b).wait()


@jax.jit
def _embed_flat(idx_flat, table):
    mesh = plsc.VectorSubcoreMesh(core_axis_name="c", subcore_axis_name="s")
    f = functools.partial(
        pl.kernel,
        mesh=mesh,
        out_type=jax.ShapeDtypeStruct((BATCH, DIM), jnp.float32),
        scratch_types=[
            pltpu.VMEM((PER_WORKER,), jnp.int32),
            pltpu.VMEM((NBUF, CHUNK, DIM), jnp.float32),
        ]
        + [pltpu.SemaphoreType.DMA] * (2 * NBUF),
        compiler_params=pltpu.CompilerParams(use_tc_tiling_on_sc=False),
    )(_emb_body)
    return f(idx_flat, table)


def kernel(token_ids, embeddings):
    b, s = token_ids.shape
    idx_flat = token_ids.reshape(b * s).astype(jnp.int32)
    out = _embed_flat(idx_flat, embeddings)
    return out.reshape(b, s, DIM)

# --- scband reference (transcript-rebuilt; emitter-appended) ---
"""Pipeline reference for scband-uniform-embedding-space-75402445848727 (READ-ONLY COPY).

The authoritative reference and input builder live on the scoring server;
editing this copy changes nothing except your own understanding.
"""

import jax, jax.numpy as jnp
import numpy as np

VOCAB_SIZE = 1000000
EMBEDDING_DIM = 64

def setup_inputs(seed: int = 0) -> dict:
    key = jax.random.key(seed)
    k_idx, k_emb = jax.random.split(key)
    token_ids = jax.random.randint(k_idx, (4096, 200), 0, VOCAB_SIZE, dtype=jnp.int64 if jax.config.jax_enable_x64 else jnp.int32)
    embeddings = jax.random.normal(k_emb, (VOCAB_SIZE, EMBEDDING_DIM), dtype=jnp.float32)
    embeddings = embeddings / jnp.linalg.norm(embeddings, axis=1, keepdims=True)
    return {"token_ids": token_ids, "embeddings": embeddings}

def reference(token_ids, embeddings):
    # UniformEmbeddingSpace.forward: plain gather from the (row-normalized) embedding table
    return jnp.take(embeddings, token_ids, axis=0)

if __name__ == "__main__":
    import jax
    _d = setup_inputs()
    print(jax.jit(kernel)(*tuple(_d.values())))

</pallas_src>

<mosaic_0001>
#map = affine_map<(d0, d1) -> (0)>
#map1 = affine_map<(d0, d1) -> (0, 0)>
module attributes {stable_mosaic.version = 14 : i64} {
  func.func @_emb_body(%arg0: i32, %arg1: i32, %arg2: memref<819200xi32, #tpu.memory_space<hbm>>, %arg3: memref<1000000x64xf32, #tpu.memory_space<hbm>>, %arg4: memref<819200x64xf32, #tpu.memory_space<hbm>>, %arg5: memref<25600xi32, #tpu.memory_space<vmem>>, %arg6: memref<4x400x64xf32, #tpu.memory_space<vmem>>, %arg7: memref<!tpu.dma_semaphore, #tpu.memory_space<semaphore_mem>>, %arg8: memref<!tpu.dma_semaphore, #tpu.memory_space<semaphore_mem>>, %arg9: memref<!tpu.dma_semaphore, #tpu.memory_space<semaphore_mem>>, %arg10: memref<!tpu.dma_semaphore, #tpu.memory_space<semaphore_mem>>, %arg11: memref<!tpu.dma_semaphore, #tpu.memory_space<semaphore_mem>>, %arg12: memref<!tpu.dma_semaphore, #tpu.memory_space<semaphore_mem>>, %arg13: memref<!tpu.dma_semaphore, #tpu.memory_space<semaphore_mem>>, %arg14: memref<!tpu.dma_semaphore, #tpu.memory_space<semaphore_mem>>) attributes {dimension_semantics = [#tpu.dimension_semantics<core_parallel>, #tpu.dimension_semantics<subcore_parallel>], iteration_bounds = array<i64: 2, 16>, scalar_prefetch = 0 : i64, scratch_operands = 10 : i64, tpu.core_type = #tpu.core_type<sc_vector_subcore>, window_params = [{transform_indices = #map}, {transform_indices = #map1}, {transform_indices = #map1}]} {
    %mul3A = arith.constant 2 : i32
    %mul3A_0 = arith.muli %arg1, %mul3A : i32
    %add3A = arith.addi %mul3A_0, %arg0 : i32
    %mul3A_1 = arith.constant 25600 : i32
    %mul3A_2 = arith.muli %add3A, %mul3A_1 : i32
    "tpu.region"() ({
      %run_scoped3A = tpu.sem_alloc : memref<!tpu.dma_semaphore, #tpu.memory_space<semaphore_mem>>
      %dma_start3A_207 = tpu.memref_slice %arg2[%mul3A_2] : memref<819200xi32, #tpu.memory_space<hbm>> -> memref<25600xi32, #tpu.memory_space<hbm>>
      %dma_start3A_208 = tpu.memref_slice %arg2[%mul3A_2] : memref<819200xi32, #tpu.memory_space<hbm>> -> memref<25600xi32, #tpu.memory_space<hbm>>
      tpu.enqueue_dma source(%dma_start3A_208 : memref<25600xi32, #tpu.memory_space<hbm>>) target(%arg5 : memref<25600xi32, #tpu.memory_space<vmem>>) target_semaphore(%run_scoped3A : memref<!tpu.dma_semaphore, #tpu.memory_space<semaphore_mem>>)
      %dma_wait3A_209 = tpu.memref_slice %arg2[%mul3A_2] : memref<819200xi32, #tpu.memory_space<hbm>> -> memref<25600xi32, #tpu.memory_space<hbm>>
      %dma_wait3A_210 = tpu.memref_slice %arg2[%mul3A_2] : memref<819200xi32, #tpu.memory_space<hbm>> -> memref<25600xi32, #tpu.memory_space<hbm>>
      tpu.wait_dma2 semaphore(%run_scoped3A : memref<!tpu.dma_semaphore, #tpu.memory_space<semaphore_mem>>) src(%dma_wait3A_210 : memref<25600xi32, #tpu.memory_space<hbm>>) dst(%arg5 : memref<25600xi32, #tpu.memory_space<vmem>>)
      tpu.yield
    }) : () -> ()
    %dma_start3A = arith.constant 0 : i32
    %dma_start3A_3 = arith.constant 0 : i32
    %dma_start3A_4 = arith.constant 0 : i32
    %dma_start3A_5 = tpu.memref_slice %arg6[%dma_start3A, %dma_start3A_3, %dma_start3A_4] : memref<4x400x64xf32, #tpu.memory_space<vmem>> -> memref<1x400x64xf32, #tpu.memory_space<vmem>>
    %dma_start3A_6 = tpu.memref_squeeze %dma_start3A_5 : memref<1x400x64xf32, #tpu.memory_space<vmem>> -> memref<400x64xf32, #tpu.memory_space<vmem>>
    %dma_start3A_7 = arith.constant 0 : i32
    %dma_start3A_8 = tpu.memref_slice %arg5[%dma_start3A_7] : memref<25600xi32, #tpu.memory_space<vmem>> -> memref<400xi32, #tpu.memory_space<vmem>>
    %dma_start3A_9 = arith.constant 0 : i32
    %dma_start3A_10 = arith.constant 0 : i32
    %dma_start3A_11 = tpu.memref_slice %arg3[%dma_start3A_9, %dma_start3A_10] : memref<1000000x64xf32, #tpu.memory_space<hbm>> -> memref<1000000x64xf32, #tpu.memory_space<hbm>>
    tpu.enqueue_indirect_dma source(%dma_start3A_11 : memref<1000000x64xf32, #tpu.memory_space<hbm>>) target(%dma_start3A_6 : memref<400x64xf32, #tpu.memory_space<vmem>>) offsets(%dma_start3A_8 : memref<400xi32, #tpu.memory_space<vmem>>) semaphore(%arg7 : memref<!tpu.dma_semaphore, #tpu.memory_space<semaphore_mem>>)
    %dma_start3A_12 = arith.constant 1 : i32
    %dma_start3A_13 = arith.constant 0 : i32
    %dma_start3A_14 = arith.constant 0 : i32
    %dma_start3A_15 = tpu.memref_slice %arg6[%dma_start3A_12, %dma_start3A_13, %dma_start3A_14] : memref<4x400x64xf32, #tpu.memory_space<vmem>> -> memref<1x400x64xf32, #tpu.memory_space<vmem>>
    %dma_start3A_16 = tpu.memref_squeeze %dma_start3A_15 : memref<1x400x64xf32, #tpu.memory_space<vmem>> -> memref<400x64xf32, #tpu.memory_space<vmem>>
    %dma_start3A_17 = arith.constant 400 : i32
    %dma_start3A_18 = tpu.memref_slice %arg5[%dma_start3A_17] : memref<25600xi32, #tpu.memory_space<vmem>> -> memref<400xi32, #tpu.memory_space<vmem>>
    %dma_start3A_19 = arith.constant 0 : i32
    %dma_start3A_20 = arith.constant 0 : i32
    %dma_start3A_21 = tpu.memref_slice %arg3[%dma_start3A_19, %dma_start3A_20] : memref<1000000x64xf32, #tpu.memory_space<hbm>> -> memref<1000000x64xf32, #tpu.memory_space<hbm>>
    tpu.enqueue_indirect_dma source(%dma_start3A_21 : memref<1000000x64xf32, #tpu.memory_space<hbm>>) target(%dma_start3A_16 : memref<400x64xf32, #tpu.memory_space<vmem>>) offsets(%dma_start3A_18 : memref<400xi32, #tpu.memory_space<vmem>>) semaphore(%arg8 : memref<!tpu.dma_semaphore, #tpu.memory_space<semaphore_mem>>)
    %dma_start3A_22 = arith.constant 2 : i32
    %dma_start3A_23 = arith.constant 0 : i32
    %dma_start3A_24 = arith.constant 0 : i32
    %dma_start3A_25 = tpu.memref_slice %arg6[%dma_start3A_22, %dma_start3A_23, %dma_start3A_24] : memref<4x400x64xf32, #tpu.memory_space<vmem>> -> memref<1x400x64xf32, #tpu.memory_space<vmem>>
    %dma_start3A_26 = tpu.memref_squeeze %dma_start3A_25 : memref<1x400x64xf32, #tpu.memory_space<vmem>> -> memref<400x64xf32, #tpu.memory_space<vmem>>
    %dma_start3A_27 = arith.constant 800 : i32
    %dma_start3A_28 = tpu.memref_slice %arg5[%dma_start3A_27] : memref<25600xi32, #tpu.memory_space<vmem>> -> memref<400xi32, #tpu.memory_space<vmem>>
    %dma_start3A_29 = arith.constant 0 : i32
    %dma_start3A_30 = arith.constant 0 : i32
    %dma_start3A_31 = tpu.memref_slice %arg3[%dma_start3A_29, %dma_start3A_30] : memref<1000000x64xf32, #tpu.memory_space<hbm>> -> memref<1000000x64xf32, #tpu.memory_space<hbm>>
    tpu.enqueue_indirect_dma source(%dma_start3A_31 : memref<1000000x64xf32, #tpu.memory_space<hbm>>) target(%dma_start3A_26 : memref<400x64xf32, #tpu.memory_space<vmem>>) offsets(%dma_start3A_28 : memref<400xi32, #tpu.memory_space<vmem>>) semaphore(%arg9 : memref<!tpu.dma_semaphore, #tpu.memory_space<semaphore_mem>>)
    %dma_start3A_32 = arith.constant 3 : i32
    %dma_start3A_33 = arith.constant 0 : i32
    %dma_start3A_34 = arith.constant 0 : i32
    %dma_start3A_35 = tpu.memref_slice %arg6[%dma_start3A_32, %dma_start3A_33, %dma_start3A_34] : memref<4x400x64xf32, #tpu.memory_space<vmem>> -> memref<1x400x64xf32, #tpu.memory_space<vmem>>
    %dma_start3A_36 = tpu.memref_squeeze %dma_start3A_35 : memref<1x400x64xf32, #tpu.memory_space<vmem>> -> memref<400x64xf32, #tpu.memory_space<vmem>>
    %dma_start3A_37 = arith.constant 1200 : i32
    %dma_start3A_38 = tpu.memref_slice %arg5[%dma_start3A_37] : memref<25600xi32, #tpu.memory_space<vmem>> -> memref<400xi32, #tpu.memory_space<vmem>>
    %dma_start3A_39 = arith.constant 0 : i32
    %dma_start3A_40 = arith.constant 0 : i32
    %dma_start3A_41 = tpu.memref_slice %arg3[%dma_start3A_39, %dma_start3A_40] : memref<1000000x64xf32, #tpu.memory_space<hbm>> -> memref<1000000x64xf32, #tpu.memory_space<hbm>>
    tpu.enqueue_indirect_dma source(%dma_start3A_41 : memref<1000000x64xf32, #tpu.memory_space<hbm>>) target(%dma_start3A_36 : memref<400x64xf32, #tpu.memory_space<vmem>>) offsets(%dma_start3A_38 : memref<400xi32, #tpu.memory_space<vmem>>) semaphore(%arg10 : memref<!tpu.dma_semaphore, #tpu.memory_space<semaphore_mem>>)
    %scan3A = arith.constant 0 : i32
    %scan3A_42 = arith.constant 0 : i32
    %scan3A_43 = arith.constant 15 : i32
    %scan3A_44 = arith.addi %scan3A_42, %scan3A_43 : i32
    %scan3A_45 = arith.constant 1 : i32
    %scan3A_46 = scf.for %scan3A_207 = %scan3A_42 to %scan3A_44 step %scan3A_45 iter_args(%scan3A_208 = %scan3A) -> (i32)  : i32 {
      %mul3A_209 = arith.constant 4 : i32
      %mul3A_210 = arith.muli %scan3A_207, %mul3A_209 : i32
      %add3A_211 = arith.constant 0 : i32
      %add3A_212 = arith.addi %mul3A_210, %add3A_211 : i32
      %mul3A_213 = arith.constant 400 : i32
      %mul3A_214 = arith.muli %add3A_212, %mul3A_213 : i32
      %dma_wait3A_215 = arith.constant 0 : i32
      %dma_wait3A_216 = arith.constant 0 : i32
      %dma_wait3A_217 = arith.constant 0 : i32
      %dma_wait3A_218 = tpu.memref_slice %arg6[%dma_wait3A_215, %dma_wait3A_216, %dma_wait3A_217] : memref<4x400x64xf32, #tpu.memory_space<vmem>> -> memref<1x400x64xf32, #tpu.memory_space<vmem>>
      %dma_wait3A_219 = tpu.memref_squeeze %dma_wait3A_218 : memref<1x400x64xf32, #tpu.memory_space<vmem>> -> memref<400x64xf32, #tpu.memory_space<vmem>>
      %dma_wait3A_220 = tpu.memref_slice %arg5[%mul3A_214] : memref<25600xi32, #tpu.memory_space<vmem>> -> memref<400xi32, #tpu.memory_space<vmem>>
      %dma_wait3A_221 = arith.constant 0 : i32
      %dma_wait3A_222 = arith.constant 0 : i32
      %dma_wait3A_223 = tpu.memref_slice %arg3[%dma_wait3A_221, %dma_wait3A_222] : memref<1000000x64xf32, #tpu.memory_space<hbm>> -> memref<1000000x64xf32, #tpu.memory_space<hbm>>
      tpu.wait_indirect_dma semaphore(%arg7 : memref<!tpu.dma_semaphore, #tpu.memory_space<semaphore_mem>>) src(%dma_wait3A_223 : memref<1000000x64xf32, #tpu.memory_space<hbm>>) dst(%dma_wait3A_219 : memref<400x64xf32, #tpu.memory_space<vmem>>)
      %mul3A_224 = arith.constant 400 : i32
      %mul3A_225 = arith.muli %add3A_212, %mul3A_224 : i32
      %add3A_226 = arith.addi %mul3A_2, %mul3A_225 : i32
      %dma_start3A_227 = arith.constant 0 : i32
      %dma_start3A_228 = arith.constant 0 : i32
      %dma_start3A_229 = arith.constant 0 : i32
      %dma_start3A_230 = tpu.memref_slice %arg6[%dma_start3A_227, %dma_start3A_228, %dma_start3A_229] : memref<4x400x64xf32, #tpu.memory_space<vmem>> -> memref<1x400x64xf32, #tpu.memory_space<vmem>>
      %dma_start3A_231 = tpu.memref_squeeze %dma_start3A_230 : memref<1x400x64xf32, #tpu.memory_space<vmem>> -> memref<400x64xf32, #tpu.memory_space<vmem>>
      %dma_start3A_232 = arith.constant 0 : i32
      %dma_start3A_233 = tpu.memref_slice %arg4[%add3A_226, %dma_start3A_232] : memref<819200x64xf32, #tpu.memory_space<hbm>> -> memref<400x64xf32, #tpu.memory_space<hbm>>
      %dma_start3A_234 = arith.constant 0 : i32
      %dma_start3A_235 = tpu.memref_slice %arg4[%add3A_226, %dma_start3A_234] : memref<819200x64xf32, #tpu.memory_space<hbm>> -> memref<400x64xf32, #tpu.memory_space<hbm>>
      %dma_start3A_236 = arith.constant 0 : i32
      %dma_start3A_237 = arith.constant 0 : i32
      %dma_start3A_238 = tpu.memref_slice %arg6[%dma_start3A_227, %dma_start3A_236, %dma_start3A_237] : memref<4x400x64xf32, #tpu.memory_space<vmem>> -> memref<1x400x64xf32, #tpu.memory_space<vmem>>
      %dma_start3A_239 = tpu.memref_squeeze %dma_start3A_238 : memref<1x400x64xf32, #tpu.memory_space<vmem>> -> memref<400x64xf32, #tpu.memory_space<vmem>>
      tpu.enqueue_dma source(%dma_start3A_239 : memref<400x64xf32, #tpu.memory_space<vmem>>) target(%dma_start3A_235 : memref<400x64xf32, #tpu.memory_space<hbm>>) target_semaphore(%arg11 : memref<!tpu.dma_semaphore, #tpu.memory_space<semaphore_mem>>)
      %mul3A_240 = arith.constant 400 : i32
      %mul3A_241 = arith.muli %add3A_212, %mul3A_240 : i32
      %add3A_242 = arith.addi %mul3A_2, %mul3A_241 : i32
      %dma_wait3A_243 = arith.constant 0 : i32
      %dma_wait3A_244 = arith.constant 0 : i32
      %dma_wait3A_245 = arith.constant 0 : i32
      %dma_wait3A_246 = tpu.memref_slice %arg6[%dma_wait3A_243, %dma_wait3A_244, %dma_wait3A_245] : memref<4x400x64xf32, #tpu.memory_space<vmem>> -> memref<1x400x64xf32, #tpu.memory_space<vmem>>
      %dma_wait3A_247 = tpu.memref_squeeze %dma_wait3A_246 : memref<1x400x64xf32, #tpu.memory_space<vmem>> -> memref<400x64xf32, #tpu.memory_space<vmem>>
      %dma_wait3A_248 = arith.constant 0 : i32
      %dma_wait3A_249 = tpu.memref_slice %arg4[%add3A_242, %dma_wait3A_248] : memref<819200x64xf32, #tpu.memory_space<hbm>> -> memref<400x64xf32, #tpu.memory_space<hbm>>
      %dma_wait3A_250 = arith.constant 0 : i32
      %dma_wait3A_251 = tpu.memref_slice %arg4[%add3A_242, %dma_wait3A_250] : memref<819200x64xf32, #tpu.memory_space<hbm>> -> memref<400x64xf32, #tpu.memory_space<hbm>>
      %dma_wait3A_252 = arith.constant 0 : i32
      %dma_wait3A_253 = arith.constant 0 : i32
      %dma_wait3A_254 = tpu.memref_slice %arg6[%dma_wait3A_243, %dma_wait3A_252, %dma_wait3A_253] : memref<4x400x64xf32, #tpu.memory_space<vmem>> -> memref<1x400x64xf32, #tpu.memory_space<vmem>>
      %dma_wait3A_255 = tpu.memref_squeeze %dma_wait3A_254 : memref<1x400x64xf32, #tpu.memory_space<vmem>> -> memref<400x64xf32, #tpu.memory_space<vmem>>
      tpu.wait_dma2 semaphore(%arg11 : memref<!tpu.dma_semaphore, #tpu.memory_space<semaphore_mem>>) src(%dma_wait3A_255 : memref<400x64xf32, #tpu.memory_space<vmem>>) dst(%dma_wait3A_251 : memref<400x64xf32, #tpu.memory_space<hbm>>)
      %add3A_256 = arith.constant 4 : i32
      %add3A_257 = arith.addi %add3A_212, %add3A_256 : i32
      %mul3A_258 = arith.constant 400 : i32
      %mul3A_259 = arith.muli %add3A_257, %mul3A_258 : i32
      %dma_start3A_260 = arith.constant 0 : i32
      %dma_start3A_261 = arith.constant 0 : i32
      %dma_start3A_262 = arith.constant 0 : i32
      %dma_start3A_263 = tpu.memref_slice %arg6[%dma_start3A_260, %dma_start3A_261, %dma_start3A_262] : memref<4x400x64xf32, #tpu.memory_space<vmem>> -> memref<1x400x64xf32, #tpu.memory_space<vmem>>
      %dma_start3A_264 = tpu.memref_squeeze %dma_start3A_263 : memref<1x400x64xf32, #tpu.memory_space<vmem>> -> memref<400x64xf32, #tpu.memory_space<vmem>>
      %dma_start3A_265 = tpu.memref_slice %arg5[%mul3A_259] : memref<25600xi32, #tpu.memory_space<vmem>> -> memref<400xi32, #tpu.memory_space<vmem>>
      %dma_start3A_266 = arith.constant 0 : i32
      %dma_start3A_267 = arith.constant 0 : i32
      %dma_start3A_268 = tpu.memref_slice %arg3[%dma_start3A_266, %dma_start3A_267] : memref<1000000x64xf32, #tpu.memory_space<hbm>> -> memref<1000000x64xf32, #tpu.memory_space<hbm>>
      tpu.enqueue_indirect_dma source(%dma_start3A_268 : memref<1000000x64xf32, #tpu.memory_space<hbm>>) target(%dma_start3A_264 : memref<400x64xf32, #tpu.memory_space<vmem>>) offsets(%dma_start3A_265 : memref<400xi32, #tpu.memory_space<vmem>>) semaphore(%arg7 : memref<!tpu.dma_semaphore, #tpu.memory_space<semaphore_mem>>)
      %mul3A_269 = arith.constant 4 : i32
      %mul3A_270 = arith.muli %scan3A_207, %mul3A_269 : i32
      %add3A_271 = arith.constant 1 : i32
      %add3A_272 = arith.addi %mul3A_270, %add3A_271 : i32
      %mul3A_273 = arith.constant 400 : i32
      %mul3A_274 = arith.muli %add3A_272, %mul3A_273 : i32
      %dma_wait3A_275 = arith.constant 1 : i32
      %dma_wait3A_276 = arith.constant 0 : i32
      %dma_wait3A_277 = arith.constant 0 : i32
      %dma_wait3A_278 = tpu.memref_slice %arg6[%dma_wait3A_275, %dma_wait3A_276, %dma_wait3A_277] : memref<4x400x64xf32, #tpu.memory_space<vmem>> -> memref<1x400x64xf32, #tpu.memory_space<vmem>>
      %dma_wait3A_279 = tpu.memref_squeeze %dma_wait3A_278 : memref<1x400x64xf32, #tpu.memory_space<vmem>> -> memref<400x64xf32, #tpu.memory_space<vmem>>
      %dma_wait3A_280 = tpu.memref_slice %arg5[%mul3A_274] : memref<25600xi32, #tpu.memory_space<vmem>> -> memref<400xi32, #tpu.memory_space<vmem>>
      %dma_wait3A_281 = arith.constant 0 : i32
      %dma_wait3A_282 = arith.constant 0 : i32
      %dma_wait3A_283 = tpu.memref_slice %arg3[%dma_wait3A_281, %dma_wait3A_282] : memref<1000000x64xf32, #tpu.memory_space<hbm>> -> memref<1000000x64xf32, #tpu.memory_space<hbm>>
      tpu.wait_indirect_dma semaphore(%arg8 : memref<!tpu.dma_semaphore, #tpu.memory_space<semaphore_mem>>) src(%dma_wait3A_283 : memref<1000000x64xf32, #tpu.memory_space<hbm>>) dst(%dma_wait3A_279 : memref<400x64xf32, #tpu.memory_space<vmem>>)
      %mul3A_284 = arith.constant 400 : i32
      %mul3A_285 = arith.muli %add3A_272, %mul3A_284 : i32
      %add3A_286 = arith.addi %mul3A_2, %mul3A_285 : i32
      %dma_start3A_287 = arith.constant 1 : i32
      %dma_start3A_288 = arith.constant 0 : i32
      %dma_start3A_289 = arith.constant 0 : i32
      %dma_start3A_290 = tpu.memref_slice %arg6[%dma_start3A_287, %dma_start3A_288, %dma_start3A_289] : memref<4x400x64xf32, #tpu.memory_space<vmem>> -> memref<1x400x64xf32, #tpu.memory_space<vmem>>
      %dma_start3A_291 = tpu.memref_squeeze %dma_start3A_290 : memref<1x400x64xf32, #tpu.memory_space<vmem>> -> memref<400x64xf32, #tpu.memory_space<vmem>>
      %dma_start3A_292 = arith.constant 0 : i32
      %dma_start3A_293 = tpu.memref_slice %arg4[%add3A_286, %dma_start3A_292] : memref<819200x64xf32, #tpu.memory_space<hbm>> -> memref<400x64xf32, #tpu.memory_space<hbm>>
      %dma_start3A_294 = arith.constant 0 : i32
      %dma_start3A_295 = tpu.memref_slice %arg4[%add3A_286, %dma_start3A_294] : memref<819200x64xf32, #tpu.memory_space<hbm>> -> memref<400x64xf32, #tpu.memory_space<hbm>>
      %dma_start3A_296 = arith.constant 0 : i32
      %dma_start3A_297 = arith.constant 0 : i32
      %dma_start3A_298 = tpu.memref_slice %arg6[%dma_start3A_287, %dma_start3A_296, %dma_start3A_297] : memref<4x400x64xf32, #tpu.memory_space<vmem>> -> memref<1x400x64xf32, #tpu.memory_space<vmem>>
      %dma_start3A_299 = tpu.memref_squeeze %dma_start3A_298 : memref<1x400x64xf32, #tpu.memory_space<vmem>> -> memref<400x64xf32, #tpu.memory_space<vmem>>
      tpu.enqueue_dma source(%dma_start3A_299 : memref<400x64xf32, #tpu.memory_space<vmem>>) target(%dma_start3A_295 : memref<400x64xf32, #tpu.memory_space<hbm>>) target_semaphore(%arg12 : memref<!tpu.dma_semaphore, #tpu.memory_space<semaphore_mem>>)
      %mul3A_300 = arith.constant 400 : i32
      %mul3A_301 = arith.muli %add3A_272, %mul3A_300 : i32
      %add3A_302 = arith.addi %mul3A_2, %mul3A_301 : i32
      %dma_wait3A_303 = arith.constant 1 : i32
      %dma_wait3A_304 = arith.constant 0 : i32
      %dma_wait3A_305 = arith.constant 0 : i32
      %dma_wait3A_306 = tpu.memref_slice %arg6[%dma_wait3A_303, %dma_wait3A_304, %dma_wait3A_305] : memref<4x400x64xf32, #tpu.memory_space<vmem>> -> memref<1x400x64xf32, #tpu.memory_space<vmem>>
      %dma_wait3A_307 = tpu.memref_squeeze %dma_wait3A_306 : memref<1x400x64xf32, #tpu.memory_space<vmem>> -> memref<400x64xf32, #tpu.memory_space<vmem>>
      %dma_wait3A_308 = arith.constant 0 : i32
      %dma_wait3A_309 = tpu.memref_slice %arg4[%add3A_302, %dma_wait3A_308] : memref<819200x64xf32, #tpu.memory_space<hbm>> -> memref<400x64xf32, #tpu.memory_space<hbm>>
      %dma_wait3A_310 = arith.constant 0 : i32
      %dma_wait3A_311 = tpu.memref_slice %arg4[%add3A_302, %dma_wait3A_310] : memref<819200x64xf32, #tpu.memory_space<hbm>> -> memref<400x64xf32, #tpu.memory_space<hbm>>
      %dma_wait3A_312 = arith.constant 0 : i32
      %dma_wait3A_313 = arith.constant 0 : i32
      %dma_wait3A_314 = tpu.memref_slice %arg6[%dma_wait3A_303, %dma_wait3A_312, %dma_wait3A_313] : memref<4x400x64xf32, #tpu.memory_space<vmem>> -> memref<1x400x64xf32, #tpu.memory_space<vmem>>
      %dma_wait3A_315 = tpu.memref_squeeze %dma_wait3A_314 : memref<1x400x64xf32, #tpu.memory_space<vmem>> -> memref<400x64xf32, #tpu.memory_space<vmem>>
      tpu.wait_dma2 semaphore(%arg12 : memref<!tpu.dma_semaphore, #tpu.memory_space<semaphore_mem>>) src(%dma_wait3A_315 : memref<400x64xf32, #tpu.memory_space<vmem>>) dst(%dma_wait3A_311 : memref<400x64xf32, #tpu.memory_space<hbm>>)
      %add3A_316 = arith.constant 4 : i32
      %add3A_317 = arith.addi %add3A_272, %add3A_316 : i32
      %mul3A_318 = arith.constant 400 : i32
      %mul3A_319 = arith.muli %add3A_317, %mul3A_318 : i32
      %dma_start3A_320 = arith.constant 1 : i32
      %dma_start3A_321 = arith.constant 0 : i32
      %dma_start3A_322 = arith.constant 0 : i32
      %dma_start3A_323 = tpu.memref_slice %arg6[%dma_start3A_320, %dma_start3A_321, %dma_start3A_322] : memref<4x400x64xf32, #tpu.memory_space<vmem>> -> memref<1x400x64xf32, #tpu.memory_space<vmem>>
      %dma_start3A_324 = tpu.memref_squeeze %dma_start3A_323 : memref<1x400x64xf32, #tpu.memory_space<vmem>> -> memref<400x64xf32, #tpu.memory_space<vmem>>
      %dma_start3A_325 = tpu.memref_slice %arg5[%mul3A_319] : memref<25600xi32, #tpu.memory_space<vmem>> -> memref<400xi32, #tpu.memory_space<vmem>>
      %dma_start3A_326 = arith.constant 0 : i32
      %dma_start3A_327 = arith.constant 0 : i32
      %dma_start3A_328 = tpu.memref_slice %arg3[%dma_start3A_326, %dma_start3A_327] : memref<1000000x64xf32, #tpu.memory_space<hbm>> -> memref<1000000x64xf32, #tpu.memory_space<hbm>>
      tpu.enqueue_indirect_dma source(%dma_start3A_328 : memref<1000000x64xf32, #tpu.memory_space<hbm>>) target(%dma_start3A_324 : memref<400x64xf32, #tpu.memory_space<vmem>>) offsets(%dma_start3A_325 : memref<400xi32, #tpu.memory_space<vmem>>) semaphore(%arg8 : memref<!tpu.dma_semaphore, #tpu.memory_space<semaphore_mem>>)
      %mul3A_329 = arith.constant 4 : i32
      %mul3A_330 = arith.muli %scan3A_207, %mul3A_329 : i32
      %add3A_331 = arith.constant 2 : i32
      %add3A_332 = arith.addi %mul3A_330, %add3A_331 : i32
      %mul3A_333 = arith.constant 400 : i32
      %mul3A_334 = arith.muli %add3A_332, %mul3A_333 : i32
      %dma_wait3A_335 = arith.constant 2 : i32
      %dma_wait3A_336 = arith.constant 0 : i32
      %dma_wait3A_337 = arith.constant 0 : i32
      %dma_wait3A_338 = tpu.memref_slice %arg6[%dma_wait3A_335, %dma_wait3A_336, %dma_wait3A_337] : memref<4x400x64xf32, #tpu.memory_space<vmem>> -> memref<1x400x64xf32, #tpu.memory_space<vmem>>
      %dma_wait3A_339 = tpu.memref_squeeze %dma_wait3A_338 : memref<1x400x64xf32, #tpu.memory_space<vmem>> -> memref<400x64xf32, #tpu.memory_space<vmem>>
      %dma_wait3A_340 = tpu.memref_slice %arg5[%mul3A_334] : memref<25600xi32, #tpu.memory_space<vmem>> -> memref<400xi32, #tpu.memory_space<vmem>>
      %dma_wait3A_341 = arith.constant 0 : i32
      %dma_wait3A_342 = arith.constant 0 : i32
      %dma_wait3A_343 = tpu.memref_slice %arg3[%dma_wait3A_341, %dma_wait3A_342] : memref<1000000x64xf32, #tpu.memory_space<hbm>> -> memref<1000000x64xf32, #tpu.memory_space<hbm>>
      tpu.wait_indirect_dma semaphore(%arg9 : memref<!tpu.dma_semaphore, #tpu.memory_space<semaphore_mem>>) src(%dma_wait3A_343 : memref<1000000x64xf32, #tpu.memory_space<hbm>>) dst(%dma_wait3A_339 : memref<400x64xf32, #tpu.memory_space<vmem>>)
      %mul3A_344 = arith.constant 400 : i32
      %mul3A_345 = arith.muli %add3A_332, %mul3A_344 : i32
      %add3A_346 = arith.addi %mul3A_2, %mul3A_345 : i32
      %dma_start3A_347 = arith.constant 2 : i32
      %dma_start3A_348 = arith.constant 0 : i32
      %dma_start3A_349 = arith.constant 0 : i32
      %dma_start3A_350 = tpu.memref_slice %arg6[%dma_start3A_347, %dma_start3A_348, %dma_start3A_349] : memref<4x400x64xf32, #tpu.memory_space<vmem>> -> memref<1x400x64xf32, #tpu.memory_space<vmem>>
      %dma_start3A_351 = tpu.memref_squeeze %dma_start3A_350 : memref<1x400x64xf32, #tpu.memory_space<vmem>> -> memref<400x64xf32, #tpu.memory_space<vmem>>
      %dma_start3A_352 = arith.constant 0 : i32
      %dma_start3A_353 = tpu.memref_slice %arg4[%add3A_346, %dma_start3A_352] : memref<819200x64xf32, #tpu.memory_space<hbm>> -> memref<400x64xf32, #tpu.memory_space<hbm>>
      %dma_start3A_354 = arith.constant 0 : i32
      %dma_start3A_355 = tpu.memref_slice %arg4[%add3A_346, %dma_start3A_354] : memref<819200x64xf32, #tpu.memory_space<hbm>> -> memref<400x64xf32, #tpu.memory_space<hbm>>
      %dma_start3A_356 = arith.constant 0 : i32
      %dma_start3A_357 = arith.constant 0 : i32
      %dma_start3A_358 = tpu.memref_slice %arg6[%dma_start3A_347, %dma_start3A_356, %dma_start3A_357] : memref<4x400x64xf32, #tpu.memory_space<vmem>> -> memref<1x400x64xf32, #tpu.memory_space<vmem>>
      %dma_start3A_359 = tpu.memref_squeeze %dma_start3A_358 : memref<1x400x64xf32, #tpu.memory_space<vmem>> -> memref<400x64xf32, #tpu.memory_space<vmem>>
      tpu.enqueue_dma source(%dma_start3A_359 : memref<400x64xf32, #tpu.memory_space<vmem>>) target(%dma_start3A_355 : memref<400x64xf32, #tpu.memory_space<hbm>>) target_semaphore(%arg13 : memref<!tpu.dma_semaphore, #tpu.memory_space<semaphore_mem>>)
      %mul3A_360 = arith.constant 400 : i32
      %mul3A_361 = arith.muli %add3A_332, %mul3A_360 : i32
      %add3A_362 = arith.addi %mul3A_2, %mul3A_361 : i32
      %dma_wait3A_363 = arith.constant 2 : i32
      %dma_wait3A_364 = arith.constant 0 : i32
      %dma_wait3A_365 = arith.constant 0 : i32
      %dma_wait3A_366 = tpu.memref_slice %arg6[%dma_wait3A_363, %dma_wait3A_364, %dma_wait3A_365] : memref<4x400x64xf32, #tpu.memory_space<vmem>> -> memref<1x400x64xf32, #tpu.memory_space<vmem>>
      %dma_wait3A_367 = tpu.memref_squeeze %dma_wait3A_366 : memref<1x400x64xf32, #tpu.memory_space<vmem>> -> memref<400x64xf32, #tpu.memory_space<vmem>>
      %dma_wait3A_368 = arith.constant 0 : i32
      %dma_wait3A_369 = tpu.memref_slice %arg4[%add3A_362, %dma_wait3A_368] : memref<819200x64xf32, #tpu.memory_space<hbm>> -> memref<400x64xf32, #tpu.memory_space<hbm>>
      %dma_wait3A_370 = arith.constant 0 : i32
      %dma_wait3A_371 = tpu.memref_slice %arg4[%add3A_362, %dma_wait3A_370] : memref<819200x64xf32, #tpu.memory_space<hbm>> -> memref<400x64xf32, #tpu.memory_space<hbm>>
      %dma_wait3A_372 = arith.constant 0 : i32
      %dma_wait3A_373 = arith.constant 0 : i32
      %dma_wait3A_374 = tpu.memref_slice %arg6[%dma_wait3A_363, %dma_wait3A_372, %dma_wait3A_373] : memref<4x400x64xf32, #tpu.memory_space<vmem>> -> memref<1x400x64xf32, #tpu.memory_space<vmem>>
      %dma_wait3A_375 = tpu.memref_squeeze %dma_wait3A_374 : memref<1x400x64xf32, #tpu.memory_space<vmem>> -> memref<400x64xf32, #tpu.memory_space<vmem>>
      tpu.wait_dma2 semaphore(%arg13 : memref<!tpu.dma_semaphore, #tpu.memory_space<semaphore_mem>>) src(%dma_wait3A_375 : memref<400x64xf32, #tpu.memory_space<vmem>>) dst(%dma_wait3A_371 : memref<400x64xf32, #tpu.memory_space<hbm>>)
      %add3A_376 = arith.constant 4 : i32
      %add3A_377 = arith.addi %add3A_332, %add3A_376 : i32
      %mul3A_378 = arith.constant 400 : i32
      %mul3A_379 = arith.muli %add3A_377, %mul3A_378 : i32
      %dma_start3A_380 = arith.constant 2 : i32
      %dma_start3A_381 = arith.constant 0 : i32
      %dma_start3A_382 = arith.constant 0 : i32
      %dma_start3A_383 = tpu.memref_slice %arg6[%dma_start3A_380, %dma_start3A_381, %dma_start3A_382] : memref<4x400x64xf32, #tpu.memory_space<vmem>> -> memref<1x400x64xf32, #tpu.memory_space<vmem>>
      %dma_start3A_384 = tpu.memref_squeeze %dma_start3A_383 : memref<1x400x64xf32, #tpu.memory_space<vmem>> -> memref<400x64xf32, #tpu.memory_space<vmem>>
      %dma_start3A_385 = tpu.memref_slice %arg5[%mul3A_379] : memref<25600xi32, #tpu.memory_space<vmem>> -> memref<400xi32, #tpu.memory_space<vmem>>
      %dma_start3A_386 = arith.constant 0 : i32
      %dma_start3A_387 = arith.constant 0 : i32
      %dma_start3A_388 = tpu.memref_slice %arg3[%dma_start3A_386, %dma_start3A_387] : memref<1000000x64xf32, #tpu.memory_space<hbm>> -> memref<1000000x64xf32, #tpu.memory_space<hbm>>
      tpu.enqueue_indirect_dma source(%dma_start3A_388 : memref<1000000x64xf32, #tpu.memory_space<hbm>>) target(%dma_start3A_384 : memref<400x64xf32, #tpu.memory_space<vmem>>) offsets(%dma_start3A_385 : memref<400xi32, #tpu.memory_space<vmem>>) semaphore(%arg9 : memref<!tpu.dma_semaphore, #tpu.memory_space<semaphore_mem>>)
      %mul3A_389 = arith.constant 4 : i32
      %mul3A_390 = arith.muli %scan3A_207, %mul3A_389 : i32
      %add3A_391 = arith.constant 3 : i32
      %add3A_392 = arith.addi %mul3A_390, %add3A_391 : i32
      %mul3A_393 = arith.constant 400 : i32
      %mul3A_394 = arith.muli %add3A_392, %mul3A_393 : i32
      %dma_wait3A_395 = arith.constant 3 : i32
      %dma_wait3A_396 = arith.constant 0 : i32
      %dma_wait3A_397 = arith.constant 0 : i32
      %dma_wait3A_398 = tpu.memref_slice %arg6[%dma_wait3A_395, %dma_wait3A_396, %dma_wait3A_397] : memref<4x400x64xf32, #tpu.memory_space<vmem>> -> memref<1x400x64xf32, #tpu.memory_space<vmem>>
      %dma_wait3A_399 = tpu.memref_squeeze %dma_wait3A_398 : memref<1x400x64xf32, #tpu.memory_space<vmem>> -> memref<400x64xf32, #tpu.memory_space<vmem>>
      %dma_wait3A_400 = tpu.memref_slice %arg5[%mul3A_394] : memref<25600xi32, #tpu.memory_space<vmem>> -> memref<400xi32, #tpu.memory_space<vmem>>
      %dma_wait3A_401 = arith.constant 0 : i32
      %dma_wait3A_402 = arith.constant 0 : i32
      %dma_wait3A_403 = tpu.memref_slice %arg3[%dma_wait3A_401, %dma_wait3A_402] : memref<1000000x64xf32, #tpu.memory_space<hbm>> -> memref<1000000x64xf32, #tpu.memory_space<hbm>>
      tpu.wait_indirect_dma semaphore(%arg10 : memref<!tpu.dma_semaphore, #tpu.memory_space<semaphore_mem>>) src(%dma_wait3A_403 : memref<1000000x64xf32, #tpu.memory_space<hbm>>) dst(%dma_wait3A_399 : memref<400x64xf32, #tpu.memory_space<vmem>>)
      %mul3A_404 = arith.constant 400 : i32
      %mul3A_405 = arith.muli %add3A_392, %mul3A_404 : i32
      %add3A_406 = arith.addi %mul3A_2, %mul3A_405 : i32
      %dma_start3A_407 = arith.constant 3 : i32
      %dma_start3A_408 = arith.constant 0 : i32
      %dma_start3A_409 = arith.constant 0 : i32
      %dma_start3A_410 = tpu.memref_slice %arg6[%dma_start3A_407, %dma_start3A_408, %dma_start3A_409] : memref<4x400x64xf32, #tpu.memory_space<vmem>> -> memref<1x400x64xf32, #tpu.memory_space<vmem>>
      %dma_start3A_411 = tpu.memref_squeeze %dma_start3A_410 : memref<1x400x64xf32, #tpu.memory_space<vmem>> -> memref<400x64xf32, #tpu.memory_space<vmem>>
      %dma_start3A_412 = arith.constant 0 : i32
      %dma_start3A_413 = tpu.memref_slice %arg4[%add3A_406, %dma_start3A_412] : memref<819200x64xf32, #tpu.memory_space<hbm>> -> memref<400x64xf32, #tpu.memory_space<hbm>>
      %dma_start3A_414 = arith.constant 0 : i32
      %dma_start3A_415 = tpu.memref_slice %arg4[%add3A_406, %dma_start3A_414] : memref<819200x64xf32, #tpu.memory_space<hbm>> -> memref<400x64xf32, #tpu.memory_space<hbm>>
      %dma_start3A_416 = arith.constant 0 : i32
      %dma_start3A_417 = arith.constant 0 : i32
      %dma_start3A_418 = tpu.memref_slice %arg6[%dma_start3A_407, %dma_start3A_416, %dma_start3A_417] : memref<4x400x64xf32, #tpu.memory_space<vmem>> -> memref<1x400x64xf32, #tpu.memory_space<vmem>>
      %dma_start3A_419 = tpu.memref_squeeze %dma_start3A_418 : memref<1x400x64xf32, #tpu.memory_space<vmem>> -> memref<400x64xf32, #tpu.memory_space<vmem>>
      tpu.enqueue_dma source(%dma_start3A_419 : memref<400x64xf32, #tpu.memory_space<vmem>>) target(%dma_start3A_415 : memref<400x64xf32, #tpu.memory_space<hbm>>) target_semaphore(%arg14 : memref<!tpu.dma_semaphore, #tpu.memory_space<semaphore_mem>>)
      %mul3A_420 = arith.constant 400 : i32
      %mul3A_421 = arith.muli %add3A_392, %mul3A_420 : i32
      %add3A_422 = arith.addi %mul3A_2, %mul3A_421 : i32
      %dma_wait3A_423 = arith.constant 3 : i32
      %dma_wait3A_424 = arith.constant 0 : i32
      %dma_wait3A_425 = arith.constant 0 : i32
      %dma_wait3A_426 = tpu.memref_slice %arg6[%dma_wait3A_423, %dma_wait3A_424, %dma_wait3A_425] : memref<4x400x64xf32, #tpu.memory_space<vmem>> -> memref<1x400x64xf32, #tpu.memory_space<vmem>>
      %dma_wait3A_427 = tpu.memref_squeeze %dma_wait3A_426 : memref<1x400x64xf32, #tpu.memory_space<vmem>> -> memref<400x64xf32, #tpu.memory_space<vmem>>
      %dma_wait3A_428 = arith.constant 0 : i32
      %dma_wait3A_429 = tpu.memref_slice %arg4[%add3A_422, %dma_wait3A_428] : memref<819200x64xf32, #tpu.memory_space<hbm>> -> memref<400x64xf32, #tpu.memory_space<hbm>>
      %dma_wait3A_430 = arith.constant 0 : i32
      %dma_wait3A_431 = tpu.memref_slice %arg4[%add3A_422, %dma_wait3A_430] : memref<819200x64xf32, #tpu.memory_space<hbm>> -> memref<400x64xf32, #tpu.memory_space<hbm>>
      %dma_wait3A_432 = arith.constant 0 : i32
      %dma_wait3A_433 = arith.constant 0 : i32
      %dma_wait3A_434 = tpu.memref_slice %arg6[%dma_wait3A_423, %dma_wait3A_432, %dma_wait3A_433] : memref<4x400x64xf32, #tpu.memory_space<vmem>> -> memref<1x400x64xf32, #tpu.memory_space<vmem>>
      %dma_wait3A_435 = tpu.memref_squeeze %dma_wait3A_434 : memref<1x400x64xf32, #tpu.memory_space<vmem>> -> memref<400x64xf32, #tpu.memory_space<vmem>>
      tpu.wait_dma2 semaphore(%arg14 : memref<!tpu.dma_semaphore, #tpu.memory_space<semaphore_mem>>) src(%dma_wait3A_435 : memref<400x64xf32, #tpu.memory_space<vmem>>) dst(%dma_wait3A_431 : memref<400x64xf32, #tpu.memory_space<hbm>>)
      %add3A_436 = arith.constant 4 : i32
      %add3A_437 = arith.addi %add3A_392, %add3A_436 : i32
      %mul3A_438 = arith.constant 400 : i32
      %mul3A_439 = arith.muli %add3A_437, %mul3A_438 : i32
      %dma_start3A_440 = arith.constant 3 : i32
      %dma_start3A_441 = arith.constant 0 : i32
      %dma_start3A_442 = arith.constant 0 : i32
      %dma_start3A_443 = tpu.memref_slice %arg6[%dma_start3A_440, %dma_start3A_441, %dma_start3A_442] : memref<4x400x64xf32, #tpu.memory_space<vmem>> -> memref<1x400x64xf32, #tpu.memory_space<vmem>>
      %dma_start3A_444 = tpu.memref_squeeze %dma_start3A_443 : memref<1x400x64xf32, #tpu.memory_space<vmem>> -> memref<400x64xf32, #tpu.memory_space<vmem>>
      %dma_start3A_445 = tpu.memref_slice %arg5[%mul3A_439] : memref<25600xi32, #tpu.memory_space<vmem>> -> memref<400xi32, #tpu.memory_space<vmem>>
      %dma_start3A_446 = arith.constant 0 : i32
      %dma_start3A_447 = arith.constant 0 : i32
      %dma_start3A_448 = tpu.memref_slice %arg3[%dma_start3A_446, %dma_start3A_447] : memref<1000000x64xf32, #tpu.memory_space<hbm>> -> memref<1000000x64xf32, #tpu.memory_space<hbm>>
      tpu.enqueue_indirect_dma source(%dma_start3A_448 : memref<1000000x64xf32, #tpu.memory_space<hbm>>) target(%dma_start3A_444 : memref<400x64xf32, #tpu.memory_space<vmem>>) offsets(%dma_start3A_445 : memref<400xi32, #tpu.memory_space<vmem>>) semaphore(%arg10 : memref<!tpu.dma_semaphore, #tpu.memory_space<semaphore_mem>>)
      %scan3A_449 = arith.constant 0 : i32
      scf.yield %scan3A_449 : i32
    }
    %scan3A_47 = arith.constant 15 : i32
    %dma_wait3A = arith.constant 0 : i32
    %dma_wait3A_48 = arith.constant 0 : i32
    %dma_wait3A_49 = arith.constant 0 : i32
    %dma_wait3A_50 = tpu.memref_slice %arg6[%dma_wait3A, %dma_wait3A_48, %dma_wait3A_49] : memref<4x400x64xf32, #tpu.memory_space<vmem>> -> memref<1x400x64xf32, #tpu.memory_space<vmem>>
    %dma_wait3A_51 = tpu.memref_squeeze %dma_wait3A_50 : memref<1x400x64xf32, #tpu.memory_space<vmem>> -> memref<400x64xf32, #tpu.memory_space<vmem>>
    %dma_wait3A_52 = arith.constant 24000 : i32
    %dma_wait3A_53 = tpu.memref_slice %arg5[%dma_wait3A_52] : memref<25600xi32, #tpu.memory_space<vmem>> -> memref<400xi32, #tpu.memory_space<vmem>>
    %dma_wait3A_54 = arith.constant 0 : i32
    %dma_wait3A_55 = arith.constant 0 : i32
    %dma_wait3A_56 = tpu.memref_slice %arg3[%dma_wait3A_54, %dma_wait3A_55] : memref<1000000x64xf32, #tpu.memory_space<hbm>> -> memref<1000000x64xf32, #tpu.memory_space<hbm>>
    tpu.wait_indirect_dma semaphore(%arg7 : memref<!tpu.dma_semaphore, #tpu.memory_space<semaphore_mem>>) src(%dma_wait3A_56 : memref<1000000x64xf32, #tpu.memory_space<hbm>>) dst(%dma_wait3A_51 : memref<400x64xf32, #tpu.memory_space<vmem>>)
    %add3A_57 = arith.constant 24000 : i32
    %add3A_58 = arith.addi %mul3A_2, %add3A_57 : i32
    %dma_start3A_59 = arith.constant 0 : i32
    %dma_start3A_60 = arith.constant 0 : i32
    %dma_start3A_61 = arith.constant 0 : i32
    %dma_start3A_62 = tpu.memref_slice %arg6[%dma_start3A_59, %dma_start3A_60, %dma_start3A_61] : memref<4x400x64xf32, #tpu.memory_space<vmem>> -> memref<1x400x64xf32, #tpu.memory_space<vmem>>
    %dma_start3A_63 = tpu.memref_squeeze %dma_start3A_62 : memref<1x400x64xf32, #tpu.memory_space<vmem>> -> memref<400x64xf32, #tpu.memory_space<vmem>>
    %dma_start3A_64 = arith.constant 0 : i32
    %dma_start3A_65 = tpu.memref_slice %arg4[%add3A_58, %dma_start3A_64] : memref<819200x64xf32, #tpu.memory_space<hbm>> -> memref<400x64xf32, #tpu.memory_space<hbm>>
    %dma_start3A_66 = arith.constant 0 : i32
    %dma_start3A_67 = tpu.memref_slice %arg4[%add3A_58, %dma_start3A_66] : memref<819200x64xf32, #tpu.memory_space<hbm>> -> memref<400x64xf32, #tpu.memory_space<hbm>>
    %dma_start3A_68 = arith.constant 0 : i32
    %dma_start3A_69 = arith.constant 0 : i32
    %dma_start3A_70 = tpu.memref_slice %arg6[%dma_start3A_59, %dma_start3A_68, %dma_start3A_69] : memref<4x400x64xf32, #tpu.memory_space<vmem>> -> memref<1x400x64xf32, #tpu.memory_space<vmem>>
    %dma_start3A_71 = tpu.memref_squeeze %dma_start3A_70 : memref<1x400x64xf32, #tpu.memory_space<vmem>> -> memref<400x64xf32, #tpu.memory_space<vmem>>
    tpu.enqueue_dma source(%dma_start3A_71 : memref<400x64xf32, #tpu.memory_space<vmem>>) target(%dma_start3A_67 : memref<400x64xf32, #tpu.memory_space<hbm>>) target_semaphore(%arg11 : memref<!tpu.dma_semaphore, #tpu.memory_space<semaphore_mem>>)
    %add3A_72 = arith.constant 24000 : i32
    %add3A_73 = arith.addi %mul3A_2, %add3A_72 : i32
    %dma_wait3A_74 = arith.constant 0 : i32
    %dma_wait3A_75 = arith.constant 0 : i32
    %dma_wait3A_76 = arith.constant 0 : i32
    %dma_wait3A_77 = tpu.memref_slice %arg6[%dma_wait3A_74, %dma_wait3A_75, %dma_wait3A_76] : memref<4x400x64xf32, #tpu.memory_space<vmem>> -> memref<1x400x64xf32, #tpu.memory_space<vmem>>
    %dma_wait3A_78 = tpu.memref_squeeze %dma_wait3A_77 : memref<1x400x64xf32, #tpu.memory_space<vmem>> -> memref<400x64xf32, #tpu.memory_space<vmem>>
    %dma_wait3A_79 = arith.constant 0 : i32
    %dma_wait3A_80 = tpu.memref_slice %arg4[%add3A_73, %dma_wait3A_79] : memref<819200x64xf32, #tpu.memory_space<hbm>> -> memref<400x64xf32, #tpu.memory_space<hbm>>
    %dma_wait3A_81 = arith.constant 0 : i32
    %dma_wait3A_82 = tpu.memref_slice %arg4[%add3A_73, %dma_wait3A_81] : memref<819200x64xf32, #tpu.memory_space<hbm>> -> memref<400x64xf32, #tpu.memory_space<hbm>>
    %dma_wait3A_83 = arith.constant 0 : i32
    %dma_wait3A_84 = arith.constant 0 : i32
    %dma_wait3A_85 = tpu.memref_slice %arg6[%dma_wait3A_74, %dma_wait3A_83, %dma_wait3A_84] : memref<4x400x64xf32, #tpu.memory_space<vmem>> -> memref<1x400x64xf32, #tpu.memory_space<vmem>>
    %dma_wait3A_86 = tpu.memref_squeeze %dma_wait3A_85 : memref<1x400x64xf32, #tpu.memory_space<vmem>> -> memref<400x64xf32, #tpu.memory_space<vmem>>
    tpu.wait_dma2 semaphore(%arg11 : memref<!tpu.dma_semaphore, #tpu.memory_space<semaphore_mem>>) src(%dma_wait3A_86 : memref<400x64xf32, #tpu.memory_space<vmem>>) dst(%dma_wait3A_82 : memref<400x64xf32, #tpu.memory_space<hbm>>)
    %dma_wait3A_87 = arith.constant 1 : i32
    %dma_wait3A_88 = arith.constant 0 : i32
    %dma_wait3A_89 = arith.constant 0 : i32
    %dma_wait3A_90 = tpu.memref_slice %arg6[%dma_wait3A_87, %dma_wait3A_88, %dma_wait3A_89] : memref<4x400x64xf32, #tpu.memory_space<vmem>> -> memref<1x400x64xf32, #tpu.memory_space<vmem>>
    %dma_wait3A_91 = tpu.memref_squeeze %dma_wait3A_90 : memref<1x400x64xf32, #tpu.memory_space<vmem>> -> memref<400x64xf32, #tpu.memory_space<vmem>>
    %dma_wait3A_92 = arith.constant 24400 : i32
    %dma_wait3A_93 = tpu.memref_slice %arg5[%dma_wait3A_92] : memref<25600xi32, #tpu.memory_space<vmem>> -> memref<400xi32, #tpu.memory_space<vmem>>
    %dma_wait3A_94 = arith.constant 0 : i32
    %dma_wait3A_95 = arith.constant 0 : i32
    %dma_wait3A_96 = tpu.memref_slice %arg3[%dma_wait3A_94, %dma_wait3A_95] : memref<1000000x64xf32, #tpu.memory_space<hbm>> -> memref<1000000x64xf32, #tpu.memory_space<hbm>>
    tpu.wait_indirect_dma semaphore(%arg8 : memref<!tpu.dma_semaphore, #tpu.memory_space<semaphore_mem>>) src(%dma_wait3A_96 : memref<1000000x64xf32, #tpu.memory_space<hbm>>) dst(%dma_wait3A_91 : memref<400x64xf32, #tpu.memory_space<vmem>>)
    %add3A_97 = arith.constant 24400 : i32
    %add3A_98 = arith.addi %mul3A_2, %add3A_97 : i32
    %dma_start3A_99 = arith.constant 1 : i32
    %dma_start3A_100 = arith.constant 0 : i32
    %dma_start3A_101 = arith.constant 0 : i32
    %dma_start3A_102 = tpu.memref_slice %arg6[%dma_start3A_99, %dma_start3A_100, %dma_start3A_101] : memref<4x400x64xf32, #tpu.memory_space<vmem>> -> memref<1x400x64xf32, #tpu.memory_space<vmem>>
    %dma_start3A_103 = tpu.memref_squeeze %dma_start3A_102 : memref<1x400x64xf32, #tpu.memory_space<vmem>> -> memref<400x64xf32, #tpu.memory_space<vmem>>
    %dma_start3A_104 = arith.constant 0 : i32
    %dma_start3A_105 = tpu.memref_slice %arg4[%add3A_98, %dma_start3A_104] : memref<819200x64xf32, #tpu.memory_space<hbm>> -> memref<400x64xf32, #tpu.memory_space<hbm>>
    %dma_start3A_106 = arith.constant 0 : i32
    %dma_start3A_107 = tpu.memref_slice %arg4[%add3A_98, %dma_start3A_106] : memref<819200x64xf32, #tpu.memory_space<hbm>> -> memref<400x64xf32, #tpu.memory_space<hbm>>
    %dma_start3A_108 = arith.constant 0 : i32
    %dma_start3A_109 = arith.constant 0 : i32
    %dma_start3A_110 = tpu.memref_slice %arg6[%dma_start3A_99, %dma_start3A_108, %dma_start3A_109] : memref<4x400x64xf32, #tpu.memory_space<vmem>> -> memref<1x400x64xf32, #tpu.memory_space<vmem>>
    %dma_start3A_111 = tpu.memref_squeeze %dma_start3A_110 : memref<1x400x64xf32, #tpu.memory_space<vmem>> -> memref<400x64xf32, #tpu.memory_space<vmem>>
    tpu.enqueue_dma source(%dma_start3A_111 : memref<400x64xf32, #tpu.memory_space<vmem>>) target(%dma_start3A_107 : memref<400x64xf32, #tpu.memory_space<hbm>>) target_semaphore(%arg12 : memref<!tpu.dma_semaphore, #tpu.memory_space<semaphore_mem>>)
    %add3A_112 = arith.constant 24400 : i32
    %add3A_113 = arith.addi %mul3A_2, %add3A_112 : i32
    %dma_wait3A_114 = arith.constant 1 : i32
    %dma_wait3A_115 = arith.constant 0 : i32
    %dma_wait3A_116 = arith.constant 0 : i32
    %dma_wait3A_117 = tpu.memref_slice %arg6[%dma_wait3A_114, %dma_wait3A_115, %dma_wait3A_116] : memref<4x400x64xf32, #tpu.memory_space<vmem>> -> memref<1x400x64xf32, #tpu.memory_space<vmem>>
    %dma_wait3A_118 = tpu.memref_squeeze %dma_wait3A_117 : memref<1x400x64xf32, #tpu.memory_space<vmem>> -> memref<400x64xf32, #tpu.memory_space<vmem>>
    %dma_wait3A_119 = arith.constant 0 : i32
    %dma_wait3A_120 = tpu.memref_slice %arg4[%add3A_113, %dma_wait3A_119] : memref<819200x64xf32, #tpu.memory_space<hbm>> -> memref<400x64xf32, #tpu.memory_space<hbm>>
    %dma_wait3A_121 = arith.constant 0 : i32
    %dma_wait3A_122 = tpu.memref_slice %arg4[%add3A_113, %dma_wait3A_121] : memref<819200x64xf32, #tpu.memory_space<hbm>> -> memref<400x64xf32, #tpu.memory_space<hbm>>
    %dma_wait3A_123 = arith.constant 0 : i32
    %dma_wait3A_124 = arith.constant 0 : i32
    %dma_wait3A_125 = tpu.memref_slice %arg6[%dma_wait3A_114, %dma_wait3A_123, %dma_wait3A_124] : memref<4x400x64xf32, #tpu.memory_space<vmem>> -> memref<1x400x64xf32, #tpu.memory_space<vmem>>
    %dma_wait3A_126 = tpu.memref_squeeze %dma_wait3A_125 : memref<1x400x64xf32, #tpu.memory_space<vmem>> -> memref<400x64xf32, #tpu.memory_space<vmem>>
    tpu.wait_dma2 semaphore(%arg12 : memref<!tpu.dma_semaphore, #tpu.memory_space<semaphore_mem>>) src(%dma_wait3A_126 : memref<400x64xf32, #tpu.memory_space<vmem>>) dst(%dma_wait3A_122 : memref<400x64xf32, #tpu.memory_space<hbm>>)
    %dma_wait3A_127 = arith.constant 2 : i32
    %dma_wait3A_128 = arith.constant 0 : i32
    %dma_wait3A_129 = arith.constant 0 : i32
    %dma_wait3A_130 = tpu.memref_slice %arg6[%dma_wait3A_127, %dma_wait3A_128, %dma_wait3A_129] : memref<4x400x64xf32, #tpu.memory_space<vmem>> -> memref<1x400x64xf32, #tpu.memory_space<vmem>>
    %dma_wait3A_131 = tpu.memref_squeeze %dma_wait3A_130 : memref<1x400x64xf32, #tpu.memory_space<vmem>> -> memref<400x64xf32, #tpu.memory_space<vmem>>
    %dma_wait3A_132 = arith.constant 24800 : i32
    %dma_wait3A_133 = tpu.memref_slice %arg5[%dma_wait3A_132] : memref<25600xi32, #tpu.memory_space<vmem>> -> memref<400xi32, #tpu.memory_space<vmem>>
    %dma_wait3A_134 = arith.constant 0 : i32
    %dma_wait3A_135 = arith.constant 0 : i32
    %dma_wait3A_136 = tpu.memref_slice %arg3[%dma_wait3A_134, %dma_wait3A_135] : memref<1000000x64xf32, #tpu.memory_space<hbm>> -> memref<1000000x64xf32, #tpu.memory_space<hbm>>
    tpu.wait_indirect_dma semaphore(%arg9 : memref<!tpu.dma_semaphore, #tpu.memory_space<semaphore_mem>>) src(%dma_wait3A_136 : memref<1000000x64xf32, #tpu.memory_space<hbm>>) dst(%dma_wait3A_131 : memref<400x64xf32, #tpu.memory_space<vmem>>)
    %add3A_137 = arith.constant 24800 : i32
    %add3A_138 = arith.addi %mul3A_2, %add3A_137 : i32
    %dma_start3A_139 = arith.constant 2 : i32
    %dma_start3A_140 = arith.constant 0 : i32
    %dma_start3A_141 = arith.constant 0 : i32
    %dma_start3A_142 = tpu.memref_slice %arg6[%dma_start3A_139, %dma_start3A_140, %dma_start3A_141] : memref<4x400x64xf32, #tpu.memory_space<vmem>> -> memref<1x400x64xf32, #tpu.memory_space<vmem>>
    %dma_start3A_143 = tpu.memref_squeeze %dma_start3A_142 : memref<1x400x64xf32, #tpu.memory_space<vmem>> -> memref<400x64xf32, #tpu.memory_space<vmem>>
    %dma_start3A_144 = arith.constant 0 : i32
    %dma_start3A_145 = tpu.memref_slice %arg4[%add3A_138, %dma_start3A_144] : memref<819200x64xf32, #tpu.memory_space<hbm>> -> memref<400x64xf32, #tpu.memory_space<hbm>>
    %dma_start3A_146 = arith.constant 0 : i32
    %dma_start3A_147 = tpu.memref_slice %arg4[%add3A_138, %dma_start3A_146] : memref<819200x64xf32, #tpu.memory_space<hbm>> -> memref<400x64xf32, #tpu.memory_space<hbm>>
    %dma_start3A_148 = arith.constant 0 : i32
    %dma_start3A_149 = arith.constant 0 : i32
    %dma_start3A_150 = tpu.memref_slice %arg6[%dma_start3A_139, %dma_start3A_148, %dma_start3A_149] : memref<4x400x64xf32, #tpu.memory_space<vmem>> -> memref<1x400x64xf32, #tpu.memory_space<vmem>>
    %dma_start3A_151 = tpu.memref_squeeze %dma_start3A_150 : memref<1x400x64xf32, #tpu.memory_space<vmem>> -> memref<400x64xf32, #tpu.memory_space<vmem>>
    tpu.enqueue_dma source(%dma_start3A_151 : memref<400x64xf32, #tpu.memory_space<vmem>>) target(%dma_start3A_147 : memref<400x64xf32, #tpu.memory_space<hbm>>) target_semaphore(%arg13 : memref<!tpu.dma_semaphore, #tpu.memory_space<semaphore_mem>>)
    %add3A_152 = arith.constant 24800 : i32
    %add3A_153 = arith.addi %mul3A_2, %add3A_152 : i32
    %dma_wait3A_154 = arith.constant 2 : i32
    %dma_wait3A_155 = arith.constant 0 : i32
    %dma_wait3A_156 = arith.constant 0 : i32
    %dma_wait3A_157 = tpu.memref_slice %arg6[%dma_wait3A_154, %dma_wait3A_155, %dma_wait3A_156] : memref<4x400x64xf32, #tpu.memory_space<vmem>> -> memref<1x400x64xf32, #tpu.memory_space<vmem>>
    %dma_wait3A_158 = tpu.memref_squeeze %dma_wait3A_157 : memref<1x400x64xf32, #tpu.memory_space<vmem>> -> memref<400x64xf32, #tpu.memory_space<vmem>>
    %dma_wait3A_159 = arith.constant 0 : i32
    %dma_wait3A_160 = tpu.memref_slice %arg4[%add3A_153, %dma_wait3A_159] : memref<819200x64xf32, #tpu.memory_space<hbm>> -> memref<400x64xf32, #tpu.memory_space<hbm>>
    %dma_wait3A_161 = arith.constant 0 : i32
    %dma_wait3A_162 = tpu.memref_slice %arg4[%add3A_153, %dma_wait3A_161] : memref<819200x64xf32, #tpu.memory_space<hbm>> -> memref<400x64xf32, #tpu.memory_space<hbm>>
    %dma_wait3A_163 = arith.constant 0 : i32
    %dma_wait3A_164 = arith.constant 0 : i32
    %dma_wait3A_165 = tpu.memref_slice %arg6[%dma_wait3A_154, %dma_wait3A_163, %dma_wait3A_164] : memref<4x400x64xf32, #tpu.memory_space<vmem>> -> memref<1x400x64xf32, #tpu.memory_space<vmem>>
    %dma_wait3A_166 = tpu.memref_squeeze %dma_wait3A_165 : memref<1x400x64xf32, #tpu.memory_space<vmem>> -> memref<400x64xf32, #tpu.memory_space<vmem>>
    tpu.wait_dma2 semaphore(%arg13 : memref<!tpu.dma_semaphore, #tpu.memory_space<semaphore_mem>>) src(%dma_wait3A_166 : memref<400x64xf32, #tpu.memory_space<vmem>>) dst(%dma_wait3A_162 : memref<400x64xf32, #tpu.memory_space<hbm>>)
    %dma_wait3A_167 = arith.constant 3 : i32
    %dma_wait3A_168 = arith.constant 0 : i32
    %dma_wait3A_169 = arith.constant 0 : i32
    %dma_wait3A_170 = tpu.memref_slice %arg6[%dma_wait3A_167, %dma_wait3A_168, %dma_wait3A_169] : memref<4x400x64xf32, #tpu.memory_space<vmem>> -> memref<1x400x64xf32, #tpu.memory_space<vmem>>
    %dma_wait3A_171 = tpu.memref_squeeze %dma_wait3A_170 : memref<1x400x64xf32, #tpu.memory_space<vmem>> -> memref<400x64xf32, #tpu.memory_space<vmem>>
    %dma_wait3A_172 = arith.constant 25200 : i32
    %dma_wait3A_173 = tpu.memref_slice %arg5[%dma_wait3A_172] : memref<25600xi32, #tpu.memory_space<vmem>> -> memref<400xi32, #tpu.memory_space<vmem>>
    %dma_wait3A_174 = arith.constant 0 : i32
    %dma_wait3A_175 = arith.constant 0 : i32
    %dma_wait3A_176 = tpu.memref_slice %arg3[%dma_wait3A_174, %dma_wait3A_175] : memref<1000000x64xf32, #tpu.memory_space<hbm>> -> memref<1000000x64xf32, #tpu.memory_space<hbm>>
    tpu.wait_indirect_dma semaphore(%arg10 : memref<!tpu.dma_semaphore, #tpu.memory_space<semaphore_mem>>) src(%dma_wait3A_176 : memref<1000000x64xf32, #tpu.memory_space<hbm>>) dst(%dma_wait3A_171 : memref<400x64xf32, #tpu.memory_space<vmem>>)
    %add3A_177 = arith.constant 25200 : i32
    %add3A_178 = arith.addi %mul3A_2, %add3A_177 : i32
    %dma_start3A_179 = arith.constant 3 : i32
    %dma_start3A_180 = arith.constant 0 : i32
    %dma_start3A_181 = arith.constant 0 : i32
    %dma_start3A_182 = tpu.memref_slice %arg6[%dma_start3A_179, %dma_start3A_180, %dma_start3A_181] : memref<4x400x64xf32, #tpu.memory_space<vmem>> -> memref<1x400x64xf32, #tpu.memory_space<vmem>>
    %dma_start3A_183 = tpu.memref_squeeze %dma_start3A_182 : memref<1x400x64xf32, #tpu.memory_space<vmem>> -> memref<400x64xf32, #tpu.memory_space<vmem>>
    %dma_start3A_184 = arith.constant 0 : i32
    %dma_start3A_185 = tpu.memref_slice %arg4[%add3A_178, %dma_start3A_184] : memref<819200x64xf32, #tpu.memory_space<hbm>> -> memref<400x64xf32, #tpu.memory_space<hbm>>
    %dma_start3A_186 = arith.constant 0 : i32
    %dma_start3A_187 = tpu.memref_slice %arg4[%add3A_178, %dma_start3A_186] : memref<819200x64xf32, #tpu.memory_space<hbm>> -> memref<400x64xf32, #tpu.memory_space<hbm>>
    %dma_start3A_188 = arith.constant 0 : i32
    %dma_start3A_189 = arith.constant 0 : i32
    %dma_start3A_190 = tpu.memref_slice %arg6[%dma_start3A_179, %dma_start3A_188, %dma_start3A_189] : memref<4x400x64xf32, #tpu.memory_space<vmem>> -> memref<1x400x64xf32, #tpu.memory_space<vmem>>
    %dma_start3A_191 = tpu.memref_squeeze %dma_start3A_190 : memref<1x400x64xf32, #tpu.memory_space<vmem>> -> memref<400x64xf32, #tpu.memory_space<vmem>>
    tpu.enqueue_dma source(%dma_start3A_191 : memref<400x64xf32, #tpu.memory_space<vmem>>) target(%dma_start3A_187 : memref<400x64xf32, #tpu.memory_space<hbm>>) target_semaphore(%arg14 : memref<!tpu.dma_semaphore, #tpu.memory_space<semaphore_mem>>)
    %add3A_192 = arith.constant 25200 : i32
    %add3A_193 = arith.addi %mul3A_2, %add3A_192 : i32
    %dma_wait3A_194 = arith.constant 3 : i32
    %dma_wait3A_195 = arith.constant 0 : i32
    %dma_wait3A_196 = arith.constant 0 : i32
    %dma_wait3A_197 = tpu.memref_slice %arg6[%dma_wait3A_194, %dma_wait3A_195, %dma_wait3A_196] : memref<4x400x64xf32, #tpu.memory_space<vmem>> -> memref<1x400x64xf32, #tpu.memory_space<vmem>>
    %dma_wait3A_198 = tpu.memref_squeeze %dma_wait3A_197 : memref<1x400x64xf32, #tpu.memory_space<vmem>> -> memref<400x64xf32, #tpu.memory_space<vmem>>
    %dma_wait3A_199 = arith.constant 0 : i32
    %dma_wait3A_200 = tpu.memref_slice %arg4[%add3A_193, %dma_wait3A_199] : memref<819200x64xf32, #tpu.memory_space<hbm>> -> memref<400x64xf32, #tpu.memory_space<hbm>>
    %dma_wait3A_201 = arith.constant 0 : i32
    %dma_wait3A_202 = tpu.memref_slice %arg4[%add3A_193, %dma_wait3A_201] : memref<819200x64xf32, #tpu.memory_space<hbm>> -> memref<400x64xf32, #tpu.memory_space<hbm>>
    %dma_wait3A_203 = arith.constant 0 : i32
    %dma_wait3A_204 = arith.constant 0 : i32
    %dma_wait3A_205 = tpu.memref_slice %arg6[%dma_wait3A_194, %dma_wait3A_203, %dma_wait3A_204] : memref<4x400x64xf32, #tpu.memory_space<vmem>> -> memref<1x400x64xf32, #tpu.memory_space<vmem>>
    %dma_wait3A_206 = tpu.memref_squeeze %dma_wait3A_205 : memref<1x400x64xf32, #tpu.memory_space<vmem>> -> memref<400x64xf32, #tpu.memory_space<vmem>>
    tpu.wait_dma2 semaphore(%arg14 : memref<!tpu.dma_semaphore, #tpu.memory_space<semaphore_mem>>) src(%dma_wait3A_206 : memref<400x64xf32, #tpu.memory_space<vmem>>) dst(%dma_wait3A_202 : memref<400x64xf32, #tpu.memory_space<hbm>>)
    return
  }
}

</mosaic_0001>

<sc_bundles>
// kernel: _embed_flat.3.cloned.1.call-start
scs
__scs_entry_jumppad:
0x0: {  	(pc) =	sbr.rel $0x88, $3  }
0x1: {  	(tag) =	ssettag $0x0;
	lr =	simm.s32 $0x1  }
0x2: {  	[smem:$0x3F9F] =	sst lr;
	_ =	strace $0xD0000000  }
0x3: {  	_ = 	snop  }
0x4: {  	_ = 	snop  }
0x5: {  	_ = 	snop  }
0x6: {  	_ = 	snop  }
0x7: {  	_ = 	snop  }
__scs_overlays_trampoline_lowered:
0x8: {  	[smem:$0x3FAE] =	sst s0  }
0x9: {  	[smem:$0x3FAF] =	sst s1  }
0xa: {  	[smem:$0x3FB0] =	sst s2  }
0xb: {  	[smem:$0x3FB1] =	sst s3  }
0xc: {  	[smem:$0x3FB2] =	sst s4  }
0xd: {  	[smem:$0x3FB3] =	sst s5  }
0xe: {  	[smem:$0x3FB4] =	sst s6  }
0xf: {  	[smem:$0x3FB5] =	sst s7  }
0x10: {  	[smem:$0x3FB6] =	sst s8  }
0x11: {  	[smem:$0x3FB7] =	sst s9;
	s0 =	simm.s32 @!p0 $0x0  }
0x12: {  	s1 =	sld [smem:$0x3F9D];
	s0 =	simm.s32 @p0 $0x1  }
0x13: {  	[smem:$0x3FB8] =	sst s0;
	s0 =	simm.s32 @!p1 $0x0  }
0x14: {  	s2 =	sld [smem:$0x3F9C];
	s0 =	simm.s32 @p1 $0x1  }
0x15: {  	[smem:$0x3FB9] =	sst s0;
	s0 =	simm.s32 @!p2 $0x0  }
0x16: {  	s3 =	sld [smem:$0x3FDB];
	s0 =	simm.s32 @p2 $0x1  }
0x17: {  	s4 =	simm.s32 $0x1BF5;
	[smem:$0x3FBB] =	sst s0  }
0x18: {  	s0 =	sld [smem:$0x3F9E];
	_ =	swait.ge [sflag:s4], $0x0  }
0x19: {  	s7 =	sld [smem:$0x3F9F]  }
0x1a: {  	s8 =	sadd.s32 $0xFFFFE003, lr  }
0x1b: {  	s9 =	sadd.s32 $0xFFFFFEF7, lr;
	s5 =	simm.s32 $0xFFFFFFFF;
	p2 =	slt.u32 s8, $0xFFFFF086  }
0x1c: {  	p1 =	slt.u32 s9, $0xF7A;
	s5 =	simm.s32 @!p2 $0x0  }
0x1d: {  	s5 =	simm.s32 @p1 $0x1;
	p0 =	seq.s32 s7, s2  }
0x1e: {  	s7 =	smul.u32 @!p0 $0xF7A, s2;
	p2 =	seq.s32 @!p0 s5, $0x0  }
0x1f: {  	s9 =	smul.u32 $0xF7A, s1;
	s8 =	simm.s32 @!p0 $0x1BF5;
	p2 =	por !p2, p0  }
0x20: {  	[sflag:s8] =	ssyncset.s32 @!p0 $0xFFFFF086;
	s6 =	sadd.s32 @!p0 s3, s7;
	s7 =	simm.s32 @!p0 $0x108  }
0x21: {  	s3 =	sadd.s32 s3, s9;
	s6 =	sadd.s32 @!p0 $0x88, s6;
	s7 =	simm.s32 @p2 $0x1082  }
0x22: {  	[simem:s7], [sflag:s8] =	dma.local @!p0 [hbm:s6], $0xF7A  }
0x23: {  	s9 =	sor.u32 $0xD0000000, s2;
	s6 =	simm.s32 $0x108;
	_ =	swait.ge @!p0 [sflag:s8], $0x0  }
0x24: {  	s3 =	sadd.s32 $0x88, s3;
	s6 =	simm.s32 @!p1 $0x1082;
	[sflag:s4] =	ssyncset.s32 $0xFFFFF086  }
0x25: {  	[simem:s6], [sflag:s4] =	dma.local [hbm:s3], $0xF7A  }
0x26: {  	[smem:$0x3F9F] =	sst s1;
	(tag) =	ssettag s2;
	_ =	strace s9  }
0x27: {  	s1 =	sld [smem:$0x3FAF]  }
0x28: {  	s2 =	sld [smem:$0x3FB0]  }
0x29: {  	s4 =	sld [smem:$0x3FB2]  }
0x2a: {  	p0 =	seq.s32 s5, $0x0;
	s5 =	sld [smem:$0x3FB3]  }
0x2b: {  	s6 =	sld [smem:$0x3FB4]  }
0x2c: {  	s7 =	sld [smem:$0x3FB5]  }
0x2d: {  	s3 =	simm.s32 $0x108;
	s8 =	sld [smem:$0x3FB6]  }
0x2e: {  	s3 =	simm.s32 @!p0 $0x1082;
	s9 =	sld [smem:$0x3FB7]  }
0x2f: {  	lr =	sadd.s32 s0, s3;
	s0 =	sld [smem:$0x3FAE]  }
0x30: {  	s3 =	sld [smem:$0x3FB1]  }
0x31: {  	[smem:$0x3FBA] =	sst s10  }
0x32: {  	s10 =	sld [smem:$0x3FB8];
	_ =	sdelay $0x3  }
0x33: {  	p0 =	seq.s32 s10, $0x1;
	s10 =	sld [smem:$0x3FBA];
	_ =	sdelay $0x3  }
0x34: {  	[smem:$0x3FBA] =	sst s10  }
0x35: {  	s10 =	sld [smem:$0x3FB9];
	_ =	sdelay $0x3  }
0x36: {  	p1 =	seq.s32 s10, $0x1;
	s10 =	sld [smem:$0x3FBA];
	_ =	sdelay $0x3  }
0x37: {  	[smem:$0x3FBA] =	sst s10  }
0x38: {  	s10 =	sld [smem:$0x3FBB]  }
0x39: {  	_ = 	snop;
	(pc) =	sbr.ind lr, $3  }
0x3a: {  	_ = 	snop  }
0x3b: {  	_ = 	snop  }
0x3c: {  	p2 =	seq.s32 s10, $0x1;
	s10 =	sld [smem:$0x3FBA]  }
0x3d: {  	_ =	shalt  }
0x3e: {  	_ =	shalt  }
0x3f: {  	_ =	shalt  }
0x40: {  	_ =	shalt  }
0x41: {  	_ =	shalt  }
0x42: {  	_ =	shalt  }
0x43: {  	_ =	shalt  }
0x44: {  	_ =	shalt  }
0x45: {  	_ =	shalt  }
0x46: {  	_ =	shalt  }
0x47: {  	_ =	shalt  }
0x48: {  	_ =	shalt  }
0x49: {  	_ =	shalt  }
0x4a: {  	_ =	shalt  }
0x4b: {  	_ =	shalt  }
0x4c: {  	_ =	shalt  }
0x4d: {  	_ =	shalt  }
0x4e: {  	_ =	shalt  }
0x4f: {  	_ =	shalt  }
0x50: {  	_ =	shalt  }
0x51: {  	_ =	shalt  }
0x52: {  	_ =	shalt  }
0x53: {  	_ =	shalt  }
0x54: {  	_ =	shalt  }
0x55: {  	_ =	shalt  }
0x56: {  	_ =	shalt  }
0x57: {  	_ =	shalt  }
0x58: {  	_ =	shalt  }
0x59: {  	_ =	shalt  }
0x5a: {  	_ =	shalt  }
0x5b: {  	_ =	shalt  }
0x5c: {  	_ =	shalt  }
0x5d: {  	_ =	shalt  }
0x5e: {  	_ =	shalt  }
0x5f: {  	_ =	shalt  }
0x60: {  	_ =	shalt  }
0x61: {  	_ =	shalt  }
0x62: {  	_ =	shalt  }
0x63: {  	_ =	shalt  }
0x64: {  	_ =	shalt  }
0x65: {  	_ =	shalt  }
0x66: {  	_ =	shalt  }
0x67: {  	_ =	shalt  }
0x68: {  	_ =	shalt  }
0x69: {  	_ =	shalt  }
0x6a: {  	_ =	shalt  }
0x6b: {  	_ =	shalt  }
0x6c: {  	_ =	shalt  }
0x6d: {  	_ =	shalt  }
0x6e: {  	_ =	shalt  }
0x6f: {  	_ =	shalt  }
0x70: {  	_ =	shalt  }
0x71: {  	_ =	shalt  }
0x72: {  	_ =	shalt  }
0x73: {  	_ =	shalt  }
0x74: {  	_ =	shalt  }
0x75: {  	_ =	shalt  }
0x76: {  	_ =	shalt  }
0x77: {  	_ =	shalt  }
0x78: {  	_ =	shalt  }
0x79: {  	_ =	shalt  }
0x7a: {  	_ =	shalt  }
0x7b: {  	_ =	shalt  }
0x7c: {  	_ =	shalt  }
0x7d: {  	_ =	shalt  }
0x7e: {  	_ =	shalt  }
0x7f: {  	_ =	shalt  }
0x80: {  	_ =	shalt  }
0x81: {  	_ =	shalt  }
0x82: {  	_ =	shalt  }
0x83: {  	_ =	shalt  }
0x84: {  	_ =	shalt  }
0x85: {  	_ =	shalt  }
0x86: {  	_ =	shalt  }
0x87: {  	_ =	shalt  }
.Lfunc_end0:
.L_simem_size_0:
called_computation.1_lowered:
.L_overlay_start_0:
0x88: {  	s2 =	sld [smem:$0x3FD9]  }
0x89: {  	s3 =	sld [smem:$0x3FFE];
	_ =	sdelay $0x1  }
0x8a: {  	s1 =	srdreg.scid  }
0x8b: {  	s0 =	sand.u32 $0x1, s1  }
0x8c: {  	s17 =	sshll.u32 s0, $0xA;
	s2 =	sadd.s32 s3, s2  }
0x8d: {  	s2 =	sadd.s32 s2, s17  }
0x8e: {  	[smem:$0x3FC6] =	sst s2  }
0x8f: {  	_ = 	snop  }
0x90: {  	s2 =	sld [smem:$0x3FC9]  }
0x91: {  	s18 =	sld [smem:$0x3FD0];
	(tm) =	ssettm $0x1  }
0x92: {  	s4 =	sld [smem:$0x3FFB];
	_ =	sdelay $0x3  }
0x93: {  	_ =	strace s4  }
0x94: {  	s4 =	sld [smem:$0x3FFC];
	_ =	sdelay $0x3  }
0x95: {  	_ =	strace s4  }
0x96: {  	s4 =	sld [smem:$0x3FFD];
	_ =	sdelay $0x3  }
0x97: {  	_ =	strace s4  }
0x98: {  	_ =	strace $0x8FFFFFFF  }
0x99: {  	s19 =	sld [smem:$0x3FDB];
	_ =	sdelay $0x1  }
0x9a: {  	s5 =	simm.s32 $_scs_section_size  }
0x9b: {  	s6 =	simm.s32 $_size__tile_overlayer_lowered;
	s7 =	simm.s32 $_tile_overlayer_lowered  }
0x9c: {  	s22 =	simm.s32 $0x1BFF;
	s21 =	sshll.u32 s7, $0x1;
	s4 =	sadd.s32 s5, s19  }
0x9d: {  	s8 =	simm.s32 $0x0;
	s20 =	sshll.u32 s6, $0x1;
	s6 =	sadd.s32 s21, s4  }
0x9e: {  	[timem:s8], [sflag:s22] =	dma.local [hbm:s6], s20  }
0x9f: {  	_ =	swait.ge [sflag:s22], s20  }
0xa0: {  	s5 =	ssub.s32 $0x0, s20;
	[sflag:s22] =	ssyncset.done $0x0  }
0xa1: {  	[sflag:s22] =	ssyncadd.s32 s5;
	_ =	sdelay $0x1  }
0xa2: {  	s23 =	simm.s32 $0x1B8B  }
0xa3: {  	_ =	swait.ge [sflag:s23], $0x1  }
0xa4: {  	[sflag:s23] =	ssyncset.done $0x0  }
0xa5: {  	s25 =	simm.s32 $0x1B8E;
	s24 =	sld [smem:$0x3FFE];
	[sflag:s23] =	ssyncadd.s32 $0xFFFFFFFF  }
0xa6: {  	s26 =	simm.s32 $execute0_lowered;
	[smem:$0x3FD2] =	sst s25  }
0xa7: {  	s6 =	sshll.u32 s26, $0x1;
	_ =	strace $0x80000046;
	[dreg:$0x1] =	wrdreg $0xFFFFFFFF  }
0xa8: {  	s28 =	simm.s32 $_size_execute0_lowered;
	s4 =	sadd.s32 s4, s6;
	[dreg:$0x0] =	wrdreg $0x0  }
0xa9: {  	s6 =	sshll.u32 s28, $0x1;
	[dreg:$0x2] =	wrdreg s4  }
0xaa: {  	[dreg:$0x3] =	wrdreg s6  }
0xab: {  	[dreg:$0x4] =	wrdreg $0xC0  }
0xac: {  	_ =	task [dreg:s8], $0x5FFFF  }
0xad: {  	[dreg:$0x1] =	wrdreg $0xFFFFFFFF  }
0xae: {  	[dreg:$0x0] =	wrdreg $0x60  }
0xaf: {  	[dreg:$0x2] =	wrdreg s2  }
0xb0: {  	[dreg:$0x3] =	wrdreg s24  }
0xb1: {  	[dreg:$0x4] =	wrdreg s18  }
0xb2: {  	[dreg:$0x5] =	wrdreg $0x9  }
0xb3: {  	_ =	task.clear_ibuf [dreg:s8], $0x6FFFF;
	_ =	strace $0x90000046  }
0xb4: {  	s29 =	simm.s32 $0x9;
	_ =	strace $0x80000048  }
0xb5: {  	_ =	swait.ge [sflag:s29], $0x1  }
0xb6: {  	[sflag:s29] =	ssyncadd.s32 $0xFFFFFFFF  }
0xb7: {  	_ =	strace $0x90000048  }
0xb8: {  	_ =	sfence  }
0xb9: {  	s30 =	sld [smem:$0x0];
	_ =	sdelay $0x2  }
0xba: {  	s31 =	sshll.u32 s1, $0xD;
	s1 =	sshrl.u32 s1, $0x2  }
0xbb: {  	s3 =	sand.u32 $0x4000, s31;
	s1 =	sadd.s32 s1, s30  }
0xbc: {  	s0 =	sor.u32 s3, s0;
	s1 =	sshll.u32 s1, $0x11  }
0xbd: {  	s0 =	sor.u32 s1, s0  }
0xbe: {  	s0 =	sadd.s32 $0x8F2B, s0  }
0xbf: {  	[sflag:s0] =	ssyncadd.remote.s32 $0x1  }
0xc0: {  	_ =	sfence.sel $0xFFFF  }
0xc1: {  	[dreg:$0x0] =	wrdreg $0xFFFFFFFF;
	(pc) =	sbr.abs _section_cstart, $3  }
0xc2: {  	[dreg:$0x1] =	wrdreg $0xFFFFFFFF  }
0xc3: {  	_ =	task.clear_ibuf [dreg:s8], $0x2FFFF;
	_ =	strace $0x9FFFFFFF  }
0xc4: {  	(tm) =	ssettm $0x7FFFFFFF  }
0xc5: {  	_ =	shalt  }
tec
execute0_lowered:
.L_overlay_start_1:
0x0: {  	(tag) =	ssettag $0x1  }
0x1: {  	s0 =	rddreg [dreg:$0x0]  }
0x2: {  	s1 =	rddreg [dreg:$0x1];
	s2 =	srdreg.scid  }
0x3: {  	s11 =	stileid.u32;
	s4 =	rddreg [dreg:$0x2]  }
0x4: {  	s14 =	simm.s32 $0x9;
	s15 =	simm.s32 $0x190;
	s16 =	simm.s32 $0x6400  }
0x5: {  	s17 =	simm.s32 $0xC800;
	s19 =	simm.s32 $0x12C00;
	s28 =	simm.s32 $0x7  }
0x6: {  	s29 =	simm.s32 $0x4;
	s30 =	simm.s32 $0x8;
	s8 =	smul.u32 $0xC800, s11  }
0x7: {  	s31 =	simm.s32 $0x0;
	s5 =	sand.u32 $0x1, s2;
	s13 =	smul.u32 $0x64000, s11  }
0x8: {  	s3 =	sshll.u32 s11, $0x1;
	s2 =	simm.s32 $0x0;
	s10 =	smul.u32 $0x6400, s5  }
0x9: {  	s3 =	sor.u32 s5, s3;
	[smem:$0x7FF] =	sst s2;
	s25 =	smul.u32 $0x32000, s5  }
0xa: {  	s20 =	ssub.s32 $0x2, s5;
	s6 =	smul.u32 $0x6400, s3;
	_ =	strace $0x80000047  }
0xb: {  	s7 =	smul.u32 $0x190000, s3;
	s3 =	sadd.s32 $0xF42C00, s1;
	s9 =	sshrl.u32 s20, $0x1  }
0xc: {  	s26 =	sadd.s32 s13, s4;
	s1 =	ssub.s32 s20, s9;
	s23 =	sadd.s32 s10, s8  }
0xd: {  	s13 =	sadd.s32 s25, s26;
	s25 =	simm.s32 $0x6;
	s6 =	sshrl.u32 s6, $0x3  }
0xe: {  	s26 =	simm.s32 $0x3;
	s7 =	sshrl.u32 s7, $0x3;
	s0 =	sadd.s32 s0, s6  }
0xf: {  	s9 =	smax.u32 s1, $0x1;
	s21 =	sadd.s32 s4, s7;
	[dreg:$0x4] =	wrdreg s0  }
0x10: {  	s22 =	sadd.s32 $0x2EE00, s21;
	s24 =	sadd.s32 $0x2FA80, s21;
	s7 =	sadd.s32 $0x30700, s21  }
0x11: {  	s0 =	sshll.u32 s23, $0x3;
	s8 =	sadd.s32 $0x31380, s21;
	[dreg:$0x5] =	wrdreg s22  }
0x12: {  	s21 =	simm.s32 $0x19000;
	s23 =	simm.s32 $0x5;
	[dreg:$0x6] =	wrdreg s24  }
0x13: {  	s0 =	sadd.s32 s0, s4;
	s22 =	simm.s32 $0x1;
	s24 =	simm.s32 $0x2  }
0x14: {  	s10 =	sadd.s32 $0x2580, s0;
	s11 =	sadd.s32 $0x1900, s0;
	s12 =	sadd.s32 $0xC80, s0  }
.LBB2_1:
0x15: {  	s0 =	rddreg [dreg:$0x4]  }
0x16: {  	[tilespmem:s2], [sflag:$0x9] =	stream.linear.gather [hbm4b:s0+s2], $0x6400, $0x38;
	[tilespmem:$0x1F400] =	vst v63  }
0x17: {  	_ =	swait.ge [sflag:s14], $0x6400  }
0x18: {  	[sflag:s14] =	ssyncset.done $0x0  }
0x19: {  	[sflag:s14] =	ssyncadd.s32 $0xFFFF9C00  }
0x1a: {  	[tilespmem:s16], [sflag:$0x1] =	stream.indirect.gather [hbm4b:s3+s15], $0x40, s2, s15, $0xb8;
	[tilespmem:$0x1F400] =	vst v63  }
0x1b: {  	_ = 	snop  }
0x1c: {  	[tilespmem:s17], [sflag:$0x2] =	stream.indirect.gather [hbm4b:s3+s15], $0x40, s15, s15, $0xb8;
	[tilespmem:$0x1F400] =	vst v63  }
0x1d: {  	s4 =	simm.s32 $0x320  }
0x1e: {  	[tilespmem:s19], [sflag:$0x3] =	stream.indirect.gather [hbm4b:s3+s15], $0x40, s4, s15, $0xb8;
	[tilespmem:$0x1F400] =	vst v63  }
0x1f: {  	s5 =	simm.s32 $0x4B0  }
0x20: {  	[tilespmem:s21], [sflag:$0x4] =	stream.indirect.gather [hbm4b:s3+s15], $0x40, s5, s15, $0xb8;
	[tilespmem:$0x1F400] =	vst v63  }
0x21: {  	_ =	swait.ge [sflag:s22], $0x6400  }
0x22: {  	[sflag:s22] =	ssyncset.done $0x0  }
0x23: {  	[sflag:s22] =	ssyncadd.s32 $0xFFFF9C00  }
0x24: {  	[hbm4b:s13+s2] =	stream.linear.scatter [tilespmem:s16], [sflag:$0x5], $0x6400, $0x38;
	[tilespmem:$0x1F400] =	vst v63  }
0x25: {  	_ =	swait.ge [sflag:s23], $0x6400  }
0x26: {  	[sflag:s23] =	ssyncset.done $0x0  }
0x27: {  	s6 =	simm.s32 $0x640;
	[sflag:s23] =	ssyncadd.s32 $0xFFFF9C00  }
0x28: {  	[tilespmem:s16], [sflag:$0x1] =	stream.indirect.gather [hbm4b:s3+s15], $0x40, s6, s15, $0xb8;
	[tilespmem:$0x1F400] =	vst v63  }
0x29: {  	_ =	swait.ge [sflag:s24], $0x6400  }
0x2a: {  	[sflag:s24] =	ssyncset.done $0x0  }
0x2b: {  	[sflag:s24] =	ssyncadd.s32 $0xFFFF9C00  }
0x2c: {  	[hbm4b:s12+s2] =	stream.linear.scatter [tilespmem:s17], [sflag:$0x6], $0x6400, $0x38;
	[tilespmem:$0x1F400] =	vst v63  }
0x2d: {  	_ =	swait.ge [sflag:s25], $0x6400  }
0x2e: {  	[sflag:s25] =	ssyncset.done $0x0  }
0x2f: {  	s18 =	simm.s32 $0x7D0;
	[sflag:s25] =	ssyncadd.s32 $0xFFFF9C00  }
0x30: {  	[tilespmem:s17], [sflag:$0x2] =	stream.indirect.gather [hbm4b:s3+s15], $0x40, s18, s15, $0xb8;
	[tilespmem:$0x1F400] =	vst v63  }
0x31: {  	_ =	swait.ge [sflag:s26], $0x6400  }
0x32: {  	[sflag:s26] =	ssyncset.done $0x0  }
0x33: {  	[sflag:s26] =	ssyncadd.s32 $0xFFFF9C00  }
0x34: {  	[hbm4b:s11+s2] =	stream.linear.scatter [tilespmem:s19], [sflag:$0x7], $0x6400, $0x38;
	[tilespmem:$0x1F400] =	vst v63  }
0x35: {  	_ =	swait.ge [sflag:s28], $0x6400  }
0x36: {  	[sflag:s28] =	ssyncset.done $0x0  }
0x37: {  	s20 =	simm.s32 $0x960;
	[sflag:s28] =	ssyncadd.s32 $0xFFFF9C00  }
0x38: {  	[tilespmem:s19], [sflag:$0x3] =	stream.indirect.gather [hbm4b:s3+s15], $0x40, s20, s15, $0xb8;
	[tilespmem:$0x1F400] =	vst v63  }
0x39: {  	_ =	swait.ge [sflag:s29], $0x6400  }
0x3a: {  	[sflag:s29] =	ssyncset.done $0x0  }
0x3b: {  	[sflag:s29] =	ssyncadd.s32 $0xFFFF9C00  }
0x3c: {  	[hbm4b:s10+s2] =	stream.linear.scatter [tilespmem:s21], [sflag:$0x8], $0x6400, $0x38;
	[tilespmem:$0x1F400] =	vst v63  }
0x3d: {  	s1 =	simm.s32 $0x1900;
	s0 =	sadd.s32 $0x3200, s13;
	_ =	swait.ge [sflag:s30], $0x6400  }
0x3e: {  	s4 =	sadd.s32 $0x3200, s10;
	s5 =	simm.s32 $0xAF0;
	[sflag:s30] =	ssyncset.done $0x0  }
0x3f: {  	s18 =	sadd.s32 $0x3200, s11;
	s20 =	sadd.s32 $0x3200, s12;
	[sflag:s30] =	ssyncadd.s32 $0xFFFF9C00  }
.LBB2_2:
0x40: {  	[tilespmem:s21], [sflag:$0x4] =	stream.indirect.gather [hbm4b:s3+s15], $0x40, s5, s15, $0xb8;
	[tilespmem:$0x1F400] =	vst v63  }
0x41: {  	s5 =	smov.u32 s1  }
0x42: {  	p0 =	sne.s32 s1, $0x15E00;
	s1 =	sadd.s32 $0x1900, s1;
	_ =	swait.ge [sflag:s22], $0x6400  }
0x43: {  	[sflag:s22] =	ssyncset.done $0x0  }
0x44: {  	[sflag:s22] =	ssyncadd.s32 $0xFFFF9C00  }
0x45: {  	[hbm4b:s0+s2] =	stream.linear.scatter [tilespmem:s16], [sflag:$0x5], $0x6400, $0x38;
	[tilespmem:$0x1F400] =	vst v63  }
0x46: {  	_ =	swait.ge [sflag:s23], $0x6400  }
0x47: {  	s5 =	sshra.s32 s5, $0x2;
	[sflag:s23] =	ssyncset.done $0x0  }
0x48: {  	s6 =	sadd.s32 $0x640, s5;
	[sflag:s23] =	ssyncadd.s32 $0xFFFF9C00  }
0x49: {  	[tilespmem:s16], [sflag:$0x1] =	stream.indirect.gather [hbm4b:s3+s15], $0x40, s6, s15, $0xb8;
	[tilespmem:$0x1F400] =	vst v63  }
0x4a: {  	_ =	swait.ge [sflag:s24], $0x6400  }
0x4b: {  	[sflag:s24] =	ssyncset.done $0x0  }
0x4c: {  	[sflag:s24] =	ssyncadd.s32 $0xFFFF9C00  }
0x4d: {  	[hbm4b:s20+s2] =	stream.linear.scatter [tilespmem:s17], [sflag:$0x6], $0x6400, $0x38;
	[tilespmem:$0x1F400] =	vst v63  }
0x4e: {  	_ =	swait.ge [sflag:s25], $0x6400  }
0x4f: {  	[sflag:s25] =	ssyncset.done $0x0  }
0x50: {  	s6 =	sadd.s32 $0x7D0, s5;
	[sflag:s25] =	ssyncadd.s32 $0xFFFF9C00  }
0x51: {  	[tilespmem:s17], [sflag:$0x2] =	stream.indirect.gather [hbm4b:s3+s15], $0x40, s6, s15, $0xb8;
	[tilespmem:$0x1F400] =	vst v63  }
0x52: {  	_ =	swait.ge [sflag:s26], $0x6400  }
0x53: {  	[sflag:s26] =	ssyncset.done $0x0  }
0x54: {  	[sflag:s26] =	ssyncadd.s32 $0xFFFF9C00  }
0x55: {  	[hbm4b:s18+s2] =	stream.linear.scatter [tilespmem:s19], [sflag:$0x7], $0x6400, $0x38;
	[tilespmem:$0x1F400] =	vst v63  }
0x56: {  	_ =	swait.ge [sflag:s28], $0x6400  }
0x57: {  	[sflag:s28] =	ssyncset.done $0x0  }
0x58: {  	s6 =	sadd.s32 $0x960, s5;
	[sflag:s28] =	ssyncadd.s32 $0xFFFF9C00  }
0x59: {  	[tilespmem:s19], [sflag:$0x3] =	stream.indirect.gather [hbm4b:s3+s15], $0x40, s6, s15, $0xb8;
	[tilespmem:$0x1F400] =	vst v63  }
0x5a: {  	_ =	swait.ge [sflag:s29], $0x6400  }
0x5b: {  	[sflag:s29] =	ssyncset.done $0x0  }
.Ltmp0:
0x5c: {  	[sflag:s29] =	ssyncadd.s32 $0xFFFF9C00;
	(pc) =	sbr.rel @p0 .LBB2_2-.Ltmp0, $4  }
0x5d: {  	[hbm4b:s4+s2] =	stream.linear.scatter [tilespmem:s21], [sflag:$0x8], $0x6400, $0x38;
	[tilespmem:$0x1F400] =	vst v63  }
0x5e: {  	s0 =	sadd.s32 $0x3200, s0;
	_ =	swait.ge [sflag:s30], $0x6400  }
0x5f: {  	s20 =	sadd.s32 $0x3200, s20;
	s18 =	sadd.s32 $0x3200, s18;
	[sflag:s30] =	ssyncset.done $0x0  }
0x60: {  	s5 =	sadd.s32 $0xAF0, s5;
	s4 =	sadd.s32 $0x3200, s4;
	[sflag:s30] =	ssyncadd.s32 $0xFFFF9C00  }
0x61: {  	[tilespmem:s21], [sflag:$0x4] =	stream.indirect.gather [hbm4b:s3+s15], $0x40, s5, s15, $0xb8;
	[tilespmem:$0x1F400] =	vst v63  }
0x62: {  	_ =	swait.ge [sflag:s22], $0x6400  }
0x63: {  	[sflag:s22] =	ssyncset.done $0x0  }
0x64: {  	s0 =	rddreg [dreg:$0x5];
	[sflag:s22] =	ssyncadd.s32 $0xFFFF9C00  }
0x65: {  	[hbm4b:s0+s2] =	stream.linear.scatter [tilespmem:s16], [sflag:$0x5], $0x6400, $0x38;
	[tilespmem:$0x1F400] =	vst v63  }
0x66: {  	_ =	swait.ge [sflag:s23], $0x6400  }
0x67: {  	[sflag:s23] =	ssyncset.done $0x0  }
0x68: {  	[sflag:s23] =	ssyncadd.s32 $0xFFFF9C00  }
0x69: {  	_ =	swait.ge [sflag:s24], $0x6400  }
0x6a: {  	[sflag:s24] =	ssyncset.done $0x0  }
0x6b: {  	s20 =	rddreg [dreg:$0x6];
	[sflag:s24] =	ssyncadd.s32 $0xFFFF9C00  }
0x6c: {  	[hbm4b:s20+s2] =	stream.linear.scatter [tilespmem:s17], [sflag:$0x6], $0x6400, $0x38;
	[tilespmem:$0x1F400] =	vst v63  }
0x6d: {  	_ =	swait.ge [sflag:s25], $0x6400  }
0x6e: {  	[sflag:s25] =	ssyncset.done $0x0  }
0x6f: {  	[sflag:s25] =	ssyncadd.s32 $0xFFFF9C00  }
0x70: {  	_ =	swait.ge [sflag:s26], $0x6400  }
0x71: {  	[sflag:s26] =	ssyncset.done $0x0  }
0x72: {  	[sflag:s26] =	ssyncadd.s32 $0xFFFF9C00  }
0x73: {  	[hbm4b:s7+s2] =	stream.linear.scatter [tilespmem:s19], [sflag:$0x7], $0x6400, $0x38;
	[tilespmem:$0x1F400] =	vst v63  }
0x74: {  	_ =	swait.ge [sflag:s28], $0x6400  }
0x75: {  	[sflag:s28] =	ssyncset.done $0x0  }
0x76: {  	[sflag:s28] =	ssyncadd.s32 $0xFFFF9C00  }
0x77: {  	s31 =	sadd.s32 $0x1, s31;
	_ =	swait.ge [sflag:s29], $0x6400  }
0x78: {  	p0 =	sne.s32 s31, s9;
	[sflag:s29] =	ssyncset.done $0x0  }
.Ltmp1:
0x79: {  	[sflag:s29] =	ssyncadd.s32 $0xFFFF9C00;
	(pc) =	sbr.rel @p0 .LBB2_1-.Ltmp1, $4  }
0x7a: {  	[hbm4b:s8+s2] =	stream.linear.scatter [tilespmem:s21], [sflag:$0x8], $0x6400, $0x38;
	[tilespmem:$0x1F400] =	vst v63  }
0x7b: {  	_ =	swait.ge [sflag:s30], $0x6400  }
0x7c: {  	[sflag:s30] =	ssyncset.done $0x0  }
0x7d: {  	[sflag:s30] =	ssyncadd.s32 $0xFFFF9C00  }
0x7e: {  	_ =	sfence.sel $0x180000  }
0x7f: {  	[bflag:$0x0] =	sbarrier.arrive $0xFFFF  }
0x80: {  	_ =	strace $0x90000047  }
0x81: {  	s0 =	stileid.u32;
	[bflag:$0x2] =	sbarrier.arrive $0xFFFF  }
0x82: {  	p0 =	sne.s32 s0, $0x0;
	s0 =	rddreg [dreg:$0x3]  }
0x83: {  	s0 =	sadd.s32 @!p0 $0x100000, s0  }
0x84: {  	[sflag:s0] =	ssyncadd.tile.s32 @!p0 $0x1;
	_ =	shalt  }
.Lfunc_end2:
_tile_overlayer_lowered:
.L_overlay_start_2:
0x85: {  	(tag) =	ssettag $0x2  }
0x86: {  	s0 =	rddreg [dreg:$0x0];
	s2 =	stileid.u32  }
0x87: {  	s1 =	rddreg [dreg:$0x1];
	p0 =	sne.s32 s2, $0x0  }
0x88: {  	s3 =	rddreg [dreg:$0x2];
	[bflag:$0x3] =	sbarrier.arrive $0xFFFF;
	s2 =	simm.s32 @!p0 $0x1C09  }
0x89: {  	[timem:s3], [sflag:s2] =	dma.local @!p0 [hbm:s0], s1  }
0x8a: {  	s0 =	simm.s32 @!p0 $0x9  }
0x8b: {  	_ =	swait.ge @!p0 [sflag:s0], s1  }
0x8c: {  	s1 =	ssub.s32 @!p0 $0x0, s1;
	[sflag:s0] =	ssyncset.done @!p0 $0x0  }
0x8d: {  	[sflag:s0] =	ssyncadd.s32 @!p0 s1  }
0x8e: {  	[bflag:$0x3] =	sbarrier.arrive $0xFFFF  }
0x8f: {  	_ =	shalt  }

// kernel: sparse-core-data-format-call.cloned.1.call-start
scs
called_computation_lowered:
.L_overlay_start_0:
0x0: {  	s2 =	sld [smem:$0x3FD9]  }
0x1: {  	s3 =	sld [smem:$0x3FFE];
	_ =	sdelay $0x1  }
0x2: {  	s1 =	srdreg.scid  }
0x3: {  	s0 =	sand.u32 $0x1, s1  }
0x4: {  	s18 =	sshll.u32 s0, $0xA;
	s2 =	sadd.s32 s3, s2  }
0x5: {  	s2 =	sadd.s32 s2, s18  }
0x6: {  	[smem:$0x3FC6] =	sst s2  }
0x7: {  	_ = 	snop  }
0x8: {  	s2 =	sld [smem:$0x3FD0];
	(tm) =	ssettm $0x1  }
0x9: {  	s19 =	sld [smem:$0x3FFB];
	_ =	sdelay $0x3  }
0xa: {  	_ =	strace s19  }
0xb: {  	s3 =	sld [smem:$0x3FFC];
	_ =	sdelay $0x3  }
0xc: {  	_ =	strace s3  }
0xd: {  	s3 =	sld [smem:$0x3FFD];
	_ =	sdelay $0x3  }
0xe: {  	_ =	strace s3  }
0xf: {  	_ =	strace $0x8FFFFFFF  }
0x10: {  	s20 =	sld [smem:$0x3FDB];
	_ =	sdelay $0x1  }
0x11: {  	s4 =	simm.s32 $_scs_section_size  }
0x12: {  	s5 =	simm.s32 $_size__tile_overlayer_lowered;
	s6 =	simm.s32 $_tile_overlayer_lowered  }
0x13: {  	s23 =	simm.s32 $0x1BFF;
	s22 =	sshll.u32 s6, $0x1;
	s3 =	sadd.s32 s4, s20  }
0x14: {  	s7 =	simm.s32 $0x0;
	s21 =	sshll.u32 s5, $0x1;
	s5 =	sadd.s32 s22, s3  }
0x15: {  	[timem:s7], [sflag:s23] =	dma.local [hbm:s5], s21  }
0x16: {  	_ =	swait.ge [sflag:s23], s21  }
0x17: {  	s4 =	ssub.s32 $0x0, s21;
	[sflag:s23] =	ssyncset.done $0x0  }
0x18: {  	[sflag:s23] =	ssyncadd.s32 s4;
	_ =	sdelay $0x1  }
0x19: {  	s24 =	simm.s32 $0x1B8B  }
0x1a: {  	_ =	swait.ge [sflag:s24], $0x1  }
0x1b: {  	[sflag:s24] =	ssyncset.done $0x0  }
0x1c: {  	s26 =	simm.s32 $0x1B8E;
	s25 =	sld [smem:$0x3FFE];
	[sflag:s24] =	ssyncadd.s32 $0xFFFFFFFF  }
0x1d: {  	s27 =	simm.s32 $execute0_lowered;
	[smem:$0x3FD2] =	sst s26  }
0x1e: {  	s5 =	sshll.u32 s27, $0x1;
	_ =	strace $0x80000049;
	[dreg:$0x1] =	wrdreg $0xFFFFFFFF  }
0x1f: {  	s28 =	simm.s32 $_size_execute0_lowered;
	s3 =	sadd.s32 s3, s5;
	[dreg:$0x0] =	wrdreg $0x0  }
0x20: {  	s5 =	sshll.u32 s28, $0x1;
	[dreg:$0x2] =	wrdreg s3  }
0x21: {  	[dreg:$0x3] =	wrdreg s5  }
0x22: {  	[dreg:$0x4] =	wrdreg $0xC0  }
0x23: {  	_ =	task [dreg:s7], $0x5FFFF  }
0x24: {  	[dreg:$0x1] =	wrdreg $0xFFFFFFFF  }
0x25: {  	[dreg:$0x0] =	wrdreg $0x60  }
0x26: {  	[dreg:$0x2] =	wrdreg s25  }
0x27: {  	[dreg:$0x3] =	wrdreg s2  }
0x28: {  	[dreg:$0x4] =	wrdreg $0x9  }
0x29: {  	_ =	task.clear_ibuf [dreg:s7], $0x5FFFF;
	_ =	strace $0x90000049  }
0x2a: {  	s29 =	simm.s32 $0x9;
	_ =	strace $0x8000004B  }
0x2b: {  	_ =	swait.ge [sflag:s29], $0x1  }
0x2c: {  	[sflag:s29] =	ssyncadd.s32 $0xFFFFFFFF  }
0x2d: {  	_ =	strace $0x9000004B  }
0x2e: {  	_ =	sfence  }
0x2f: {  	s30 =	sld [smem:$0x0];
	_ =	sdelay $0x2  }
0x30: {  	s31 =	sshll.u32 s1, $0xD;
	s1 =	sshrl.u32 s1, $0x2  }
0x31: {  	s3 =	sand.u32 $0x4000, s31;
	s1 =	sadd.s32 s1, s30  }
0x32: {  	s0 =	sor.u32 s3, s0;
	s1 =	sshll.u32 s1, $0x11  }
0x33: {  	s0 =	sor.u32 s1, s0  }
0x34: {  	s0 =	sadd.s32 $0x8F2B, s0  }
0x35: {  	[sflag:s0] =	ssyncadd.remote.s32 $0x1  }
0x36: {  	_ =	sfence.sel $0xFFFF  }
0x37: {  	[dreg:$0x0] =	wrdreg $0xFFFFFFFF;
	(pc) =	sbr.abs _section_cstart, $3  }
0x38: {  	[dreg:$0x1] =	wrdreg $0xFFFFFFFF  }
0x39: {  	_ =	task.clear_ibuf [dreg:s7], $0x2FFFF;
	_ =	strace $0x9FFFFFFF  }
0x3a: {  	(tm) =	ssettm $0x7FFFFFFF  }
0x3b: {  	_ =	shalt  }
tec
execute0_lowered:
.L_overlay_start_1:
0x0: {  	(tag) =	ssettag $0x1  }
0x1: {  	s0 =	srdreg.scid  }
0x2: {  	s1 =	sshll.u32 s0, $0x4  }
0x3: {  	s4 =	rddreg [dreg:$0x0];
	s0 =	stileid.u32;
	s1 =	sand.u32 $0x10, s1  }
0x4: {  	s2 =	rddreg [dreg:$0x1];
	s7 =	simm.s32 $0x1;
	s1 =	sor.u32 s0, s1  }
0x5: {  	s8 =	simm.s32 $0x2;
	s11 =	simm.s32 $0x0;
	s3 =	sshll.u32 s1, $0x7  }
0x6: {  	s10 =	simm.s32 $0x0;
	s4 =	sadd.s32 $0x800, s4;
	s6 =	ssub.s32 $0xC8000, s3  }
.Ltmp0:
0x7: {  	s1 =	rddreg [dreg:$0x2];
	s5 =	sand.u32 $0xF80, s6;
	(pc) =	sbr.rel .LBB1_1-.Ltmp0, $4  }
0x8: {  	_ =	strace $0x8000004A;
	s9 =	smov.u32 s3;
	p0 =	sne.s32 s5, $0x0  }
0x9: {  	s6 =	sshrl.u32 s6, $0xC;
	s5 =	simm.s32 $0x1;
	s7 =	simm.s32 @!p0 $0x0  }
0xa: {  	[sflag:s5] =	ssyncpa.u1 $0x0;
	p0 =	por $0x0, $0x0;
	s6 =	sadd.s32 s7, s6  }
0xb: {  	[sflag:s8] =	ssyncpa.u1 $0x0;
	s8 =	simm.s32 $0x640000;
	s7 =	sadd.s32 $0x1, s6  }
.LBB1_4:
0xc: {  	s14 =	sshll.u32 s11, $0x3  }
0xd: {  	s30 =	sand.u32 $0x7F, s11;
	s15 =	sand.u32 $0xFFFFFC00, s14  }
0xe: {  	s11 =	sor.u32 s30, s15  }
0xf: {  	s15 =	smulhi.u32 $0x51EB851F, s11  }
0x10: {  	s14 =	smulhi.u32 $0x51EB851F, s14  }
0x11: {  	s15 =	sshrl.u32 s15, $0x12  }
0x12: {  	s14 =	sshrl.u32 s14, $0x12;
	s15 =	smul.u32 $0xC8000, s15  }
0x13: {  	s14 =	sand.u32 $0x3F, s14  }
0x14: {  	s14 =	smul.u32 $0x19000, s14;
	s11 =	ssub.s32 s11, s15  }
0x15: {  	[tilespmem:s13+$0x810 ss:$0x81] =	vst.msk $0xffff, v2;
	s15 =	sand.u32 $0x7, s11  }
0x16: {  	[tilespmem:s13+$0x1020 ss:$0x81] =	vst.msk $0xffff, v0;
	s14 =	sadd.s32 s2, s14;
	s11 =	sshrl.u32 s11, $0x3;
	s15 =	sshll.u32 s15, $0x12  }
0x17: {  	[tilespmem:s13+$0x0 ss:$0x81] =	vst.msk $0xffff, v1;
	s11 =	sadd.s32 s11, s14;
	s31 =	sor.u32 $0x400, s15  }
0x18: {  	[hbm4b:s11+s31] =	stream.strided.scatter [tilespmem:s12], [sflag:$0x2], $0x2000, s8, s31, $0x20;
	[tilespmem:$0x8080] =	vst v63  }
.LBB1_5:
0x19: {  	s13 =	sadd.s32 $0x1000, s9  }
0x1a: {  	p2 =	sgt.s32 s13, $0xC7FFF  }
0x1b: {  	s13 =	smov.u32 @p2 s3;
	p2 =	sne.s32 s10, s7  }
.Ltmp1:
0x1c: {  	p1 =	slt.u32 s10, $0x2;
	(pc) =	sbr.rel @!p2 .LBB1_6-.Ltmp1, $4  }
0x1d: {  	s12 =	simm.s32 @!p1 $0x2  }
0x1e: {  	s14 =	sadd.s32 $0x1, s10;
	_ =	swait.ge @!p1 [sflag:s12], $0x2000  }
0x1f: {  	s11 =	smov.u32 s9;
	p0 =	por !p0, !p0;
	[sflag:s12] =	ssyncset.done @!p1 $0x0  }
0x20: {  	s10 =	smov.u32 s14;
	s9 =	smov.u32 s13;
	[sflag:s12] =	ssyncadd.s32 @!p1 $0xFFFFE000  }
.LBB1_1:
0x21: {  	p1 =	sge.u32 s10, s6  }
0x22: {  	s12 =	sand.u32 @!p1 $0x1FFFFFF, s9  }
0x23: {  	s13 =	smulhi.u32 @!p1 $0x147AE15, s12;
	_ =	sdelay $0x1  }
0x24: {  	s13 =	sshrl.u32 @!p1 s13, $0xC  }
0x25: {  	s13 =	smul.u32 @!p1 $0xC8000, s13;
	_ =	sdelay $0x1  }
0x26: {  	s31 =	sadd.s32 $0xFFFFFFFF, s10;
	s14 =	sxor.u32 @!p1 $0xFFFFFFFF, s10;
	s12 =	ssub.s32 @!p1 s12, s13  }
0x27: {  	s15 =	simm.s32 @!p1 $0x80;
	s14 =	sshll.u32 @!p1 s14, $0xD;
	s12 =	sshll.u32 @!p1 s12, $0x4  }
0x28: {  	s13 =	sand.u32 @!p1 $0x2000, s14;
	s14 =	simm.s32 @!p1 $0x40;
	s12 =	sadd.s32 @!p1 s4, s12  }
0x29: {  	[tilespmem:s13], [sflag:$0x1] =	stream.strided.gather @!p1 [hbm4b:s12+s14], $0x2000, s15, s14, $0x38;
	[tilespmem:$0x8080] =	vst v63  }
0x2a: {  	p1 =	sge.u32 s31, s6  }
.Ltmp2:
0x2b: {  	_ = 	snop;
	(pc) =	sbr.rel @p1 .LBB1_5-.Ltmp2, $1  }
0x2c: {  	_ =	sdelay $0x3  }
0x2d: {  	s12 =	simm.s32 $0x1  }
0x2e: {  	_ =	swait.ge [sflag:s5], $0x2000;
	s12 =	simm.s32 @!p0 $0x0  }
0x2f: {  	[sflag:s5] =	ssyncset.done $0x0;
	s13 =	sshll.u32 s12, $0xD  }
0x30: {  	[sflag:s5] =	ssyncadd.s32 $0xFFFFE000;
	s16 =	sor.u32 $0x20, s13  }
0x31: {  	s12 =	smul.u32 $0x8100, s12;
	v3 =	vld [tilespmem:s16+$0x10]  }
0x32: {  	s30 =	sand.u32 $0x1, s10;
	v2 =	vld [tilespmem:s16+$0xFFFFFFF0]  }
0x33: {  	s13 =	smul.u32 $0x8100, s30;
	s12 =	sshrl.u32 s12, $0x2;
	v0 =	vld [tilespmem:s16+$0x0]  }
0x34: {  	v1 =	vld [tilespmem:s16+$0xFFFFFFE0];
	s14 =	sor.u32 $0x4000, s12  }
0x35: {  	s31 =	sshrl.u32 s13, $0x2;
	s13 =	sadd.s32 $0x0, s14  }
0x36: {  	s15 =	simm.s32 $0x4;
	s16 =	sadd.s32 $0x40, s16;
	s12 =	sor.u32 $0x4000, s31;
	[tilespmem:s13+$0x1830 ss:$0x81] =	vst.msk $0xffff, v3  }
.LBB1_3:
0x37: {  	v3 =	vld [tilespmem:s16+$0x10];
	p1 =	sne.s32 s15, $0x1FC;
	[tilespmem:s13+$0x810 ss:$0x81] =	vst.msk $0xffff, v2;
	s17 =	smov.u32 s15;
	s15 =	sadd.s32 $0x4, s15  }
.Ltmp3:
0x38: {  	v2 =	vld [tilespmem:s16+$0xFFFFFFF0];
	[tilespmem:s13+$0x1020 ss:$0x81] =	vst.msk $0xffff, v0;
	(pc) =	sbr.rel @p1 .LBB1_3-.Ltmp3, $4  }
0x39: {  	v0 =	vld [tilespmem:s16+$0x0];
	[tilespmem:s13+$0x0 ss:$0x81] =	vst.msk $0xffff, v1  }
0x3a: {  	s13 =	sshra.s32 s17, $0x2;
	v1 =	vld [tilespmem:s16+$0xFFFFFFE0]  }
0x3b: {  	s13 =	sadd.s32 s13, s14  }
0x3c: {  	s16 =	sadd.s32 $0x40, s16;
	[tilespmem:s13+$0x1830 ss:$0x81] =	vst.msk $0xffff, v3  }
.Ltmp4:
0x3d: {  	_ = 	snop;
	(pc) =	sbr.rel .LBB1_4-.Ltmp4, $1  }
0x3e: {  	_ =	sdelay $0x3  }
.LBB1_6:
0x3f: {  	_ =	sfence.sel $0x180000  }
0x40: {  	s2 =	simm.s32 $0x1;
	[bflag:$0x0] =	sbarrier.arrive $0xFFFF  }
0x41: {  	s31 =	simm.s32 $0x2;
	[sflag:s2] =	ssyncpa.u1 $0x1  }
0x42: {  	[sflag:s31] =	ssyncpa.u1 $0x1  }
0x43: {  	p0 =	sne.s32 s0, $0x0;
	_ =	strace $0x9000004A  }
0x44: {  	s0 =	sadd.s32 @!p0 $0x100000, s1;
	[bflag:$0x2] =	sbarrier.arrive $0xFFFF  }
0x45: {  	[sflag:s0] =	ssyncadd.tile.s32 @!p0 $0x1;
	_ =	shalt  }
.Lfunc_end1:
_tile_overlayer_lowered:
.L_overlay_start_2:
0x46: {  	(tag) =	ssettag $0x2  }
0x47: {  	s0 =	rddreg [dreg:$0x0];
	s2 =	stileid.u32  }
0x48: {  	s1 =	rddreg [dreg:$0x1];
	p0 =	sne.s32 s2, $0x0  }
0x49: {  	s3 =	rddreg [dreg:$0x2];
	[bflag:$0x3] =	sbarrier.arrive $0xFFFF;
	s2 =	simm.s32 @!p0 $0x1C01  }
0x4a: {  	[timem:s3], [sflag:s2] =	dma.local @!p0 [hbm:s0], s1  }
0x4b: {  	s0 =	simm.s32 @!p0 $0x1  }
0x4c: {  	_ =	swait.ge @!p0 [sflag:s0], s1  }
0x4d: {  	s1 =	ssub.s32 @!p0 $0x0, s1;
	[sflag:s0] =	ssyncset.done @!p0 $0x0  }
0x4e: {  	[sflag:s0] =	ssyncadd.s32 @!p0 s1  }
0x4f: {  	[bflag:$0x3] =	sbarrier.arrive $0xFFFF  }
0x50: {  	_ =	shalt  }

</sc_bundles>
